<compile_context>
chip_gen: v7x
topology: tpu7x:2x2x1
jax: 0.10.2.dev20260603
libtpu: 0.0.44.dev20260713+nightly
codegen_flags: <defaults>
</compile_context>

<pallas_src>
import functools

import jax
import jax.numpy as jnp
from jax import lax
from jax.experimental import pallas as pl
from jax.experimental.pallas import tpu as pltpu
from jax.experimental.pallas import tpu_sc as plsc

TOK = 16384
E = 64
NC = 2
NS = 16
L = 16
NW = NC * NS
TPW = TOK // NW
TCH = 128
NCH = TPW // TCH
NEG = -1e30


def _sc_body(xt_hbm, w_hbm, i_hbm,
             x0, x1, w0, w1, j0, j1,
             sin0, sin1, sw0, sw1, si0, si1):
    wid = lax.axis_index("s") * NC + lax.axis_index("c")
    base = wid * TPW

    xb, wb, jb = [x0, x1], [w0, w1], [j0, j1]
    sin, sw, si = [sin0, sin1], [sw0, sw1], [si0, si1]

    def start_in(c):
        return pltpu.async_copy(
            xt_hbm.at[:, pl.ds(base + c * TCH, TCH)], xb[c % 2], sin[c % 2])

    def compute(c):
        p = c % 2

        def group(g, carry):
            m1 = jnp.full((L,), NEG, jnp.float32)
            m2 = jnp.full((L,), NEG, jnp.float32)
            i1 = jnp.zeros((L,), jnp.int32)
            i2 = jnp.zeros((L,), jnp.int32)
            s = jnp.zeros((L,), jnp.float32)
            e0 = jnp.full((L,), -1, jnp.int32)

            def estep(e, st):
                m1, m2, i1, i2, s, ev = st
                v = xb[p][e, pl.ds(g * L, L)]
                ev = ev + 1
                gt1 = v > m1
                gt2 = v > m2
                i2 = jnp.where(gt1, i1, jnp.where(gt2, ev, i2))
                m2 = jnp.maximum(m2, jnp.minimum(m1, v))
                i1 = jnp.where(gt1, ev, i1)
                m1 = jnp.maximum(m1, v)
                s = s + jnp.exp(v)
                return (m1, m2, i1, i2, s, ev)

            m1, m2, i1, i2, s, _ = lax.fori_loop(
                0, E, estep, (m1, m2, i1, i2, s, e0), unroll=4)
            inv = 1.0 / s
            wb[p][0, pl.ds(g * L, L)] = jnp.exp(m1) * inv
            wb[p][1, pl.ds(g * L, L)] = jnp.exp(m2) * inv
            jb[p][0, pl.ds(g * L, L)] = i1
            jb[p][1, pl.ds(g * L, L)] = i2
            return carry

        lax.fori_loop(0, TCH // L, group, 0)

    def start_out(c):
        p = c % 2
        hw = pltpu.async_copy(
            wb[p], w_hbm.at[:, pl.ds(base + c * TCH, TCH)], sw[p])
        hi = pltpu.async_copy(
            jb[p], i_hbm.at[:, pl.ds(base + c * TCH, TCH)], si[p])
        return hw, hi

    in_h = {0: start_in(0)}
    out_h = {}
    for c in range(NCH):
        if c + 1 < NCH:
            in_h[c + 1] = start_in(c + 1)
        in_h[c].wait()
        if c >= 2:
            for h in out_h[c - 2]:
                h.wait()
        compute(c)
        out_h[c] = start_out(c)
    for c in (NCH - 2, NCH - 1):
        for h in out_h[c]:
            h.wait()


_topk_call = functools.partial(
    pl.kernel,
    out_type=(jax.ShapeDtypeStruct((2, TOK), jnp.float32),
              jax.ShapeDtypeStruct((2, TOK), jnp.int32)),
    mesh=plsc.VectorSubcoreMesh(core_axis_name="c", subcore_axis_name="s",
                                num_cores=NC, num_subcores=NS),
    scratch_types=[
        pltpu.VMEM((E, TCH), jnp.float32),
        pltpu.VMEM((E, TCH), jnp.float32),
        pltpu.VMEM((2, TCH), jnp.float32),
        pltpu.VMEM((2, TCH), jnp.float32),
        pltpu.VMEM((2, TCH), jnp.int32),
        pltpu.VMEM((2, TCH), jnp.int32),
        pltpu.SemaphoreType.DMA,
        pltpu.SemaphoreType.DMA,
        pltpu.SemaphoreType.DMA,
        pltpu.SemaphoreType.DMA,
        pltpu.SemaphoreType.DMA,
        pltpu.SemaphoreType.DMA,
    ],
    compiler_params=pltpu.CompilerParams(needs_layout_passes=False,
                                         use_tc_tiling_on_sc=True),
)(_sc_body)


def kernel(gating_output, topk):
    del topk
    wt, it = _topk_call(gating_output.T)
    return (wt.T, it.T)

# --- scband reference (transcript-rebuilt; emitter-appended) ---
"""Pipeline reference for scband-example-model-35596688949292 (READ-ONLY COPY).

The authoritative reference and input builder live on the scoring server;
editing this copy changes nothing except your own understanding.
"""

import jax, jax.numpy as jnp
import numpy as np


def setup_inputs(seed: int = 0) -> dict:
    key = jax.random.key(seed)
    gating_output = jax.random.normal(key, (16384, 64), dtype=jnp.float32)
    return {"gating_output": gating_output, "topk": 2}


def reference(gating_output, topk):
    softmax_output = jax.nn.softmax(gating_output, axis=-1)
    topk_weights, topk_indices = jax.lax.top_k(softmax_output, 2)
    topk_indices = topk_indices + (topk - topk)
    return (topk_weights, topk_indices)

if __name__ == "__main__":
    import jax
    _d = setup_inputs()
    print(jax.jit(kernel)(*tuple(_d.values())))

</pallas_src>

<mosaic_0001>
#map = affine_map<(d0, d1) -> (0, 0)>
module attributes {stable_mosaic.version = 14 : i64} {
  func.func @_sc_body(%arg0: i32, %arg1: i32, %arg2: memref<64x16384xf32, #tpu.memory_space<hbm>>, %arg3: memref<2x16384xf32, #tpu.memory_space<hbm>>, %arg4: memref<2x16384xi32, #tpu.memory_space<hbm>>, %arg5: memref<64x128xf32, #tpu.memory_space<vmem>>, %arg6: memref<64x128xf32, #tpu.memory_space<vmem>>, %arg7: memref<2x128xf32, #tpu.memory_space<vmem>>, %arg8: memref<2x128xf32, #tpu.memory_space<vmem>>, %arg9: memref<2x128xi32, #tpu.memory_space<vmem>>, %arg10: memref<2x128xi32, #tpu.memory_space<vmem>>, %arg11: memref<!tpu.dma_semaphore, #tpu.memory_space<semaphore_mem>>, %arg12: memref<!tpu.dma_semaphore, #tpu.memory_space<semaphore_mem>>, %arg13: memref<!tpu.dma_semaphore, #tpu.memory_space<semaphore_mem>>, %arg14: memref<!tpu.dma_semaphore, #tpu.memory_space<semaphore_mem>>, %arg15: memref<!tpu.dma_semaphore, #tpu.memory_space<semaphore_mem>>, %arg16: memref<!tpu.dma_semaphore, #tpu.memory_space<semaphore_mem>>) attributes {dimension_semantics = [#tpu.dimension_semantics<core_parallel>, #tpu.dimension_semantics<subcore_parallel>], iteration_bounds = array<i64: 2, 16>, scalar_prefetch = 0 : i64, scratch_operands = 12 : i64, tpu.core_type = #tpu.core_type<sc_vector_subcore>, window_params = [{transform_indices = #map}, {transform_indices = #map}, {transform_indices = #map}]} {
    %mul3A = arith.constant 2 : i32
    %mul3A_0 = arith.muli %arg1, %mul3A : i32
    %add3A = arith.addi %mul3A_0, %arg0 : i32
    %mul3A_1 = arith.constant 512 : i32
    %mul3A_2 = arith.muli %add3A, %mul3A_1 : i32
    %add3A_3 = arith.constant 0 : i32
    %add3A_4 = arith.addi %mul3A_2, %add3A_3 : i32
    %dma_start3A = arith.constant 0 : i32
    %dma_start3A_5 = tpu.memref_slice %arg2[%dma_start3A, %add3A_4] : memref<64x16384xf32, #tpu.memory_space<hbm>> -> memref<64x128xf32, #tpu.memory_space<hbm>>
    %dma_start3A_6 = arith.constant 0 : i32
    %dma_start3A_7 = tpu.memref_slice %arg2[%dma_start3A_6, %add3A_4] : memref<64x16384xf32, #tpu.memory_space<hbm>> -> memref<64x128xf32, #tpu.memory_space<hbm>>
    tpu.enqueue_dma source(%dma_start3A_7 : memref<64x128xf32, #tpu.memory_space<hbm>>) target(%arg5 : memref<64x128xf32, #tpu.memory_space<vmem>>) target_semaphore(%arg11 : memref<!tpu.dma_semaphore, #tpu.memory_space<semaphore_mem>>)
    %add3A_8 = arith.constant 128 : i32
    %add3A_9 = arith.addi %mul3A_2, %add3A_8 : i32
    %dma_start3A_10 = arith.constant 0 : i32
    %dma_start3A_11 = tpu.memref_slice %arg2[%dma_start3A_10, %add3A_9] : memref<64x16384xf32, #tpu.memory_space<hbm>> -> memref<64x128xf32, #tpu.memory_space<hbm>>
    %dma_start3A_12 = arith.constant 0 : i32
    %dma_start3A_13 = tpu.memref_slice %arg2[%dma_start3A_12, %add3A_9] : memref<64x16384xf32, #tpu.memory_space<hbm>> -> memref<64x128xf32, #tpu.memory_space<hbm>>
    tpu.enqueue_dma source(%dma_start3A_13 : memref<64x128xf32, #tpu.memory_space<hbm>>) target(%arg6 : memref<64x128xf32, #tpu.memory_space<vmem>>) target_semaphore(%arg12 : memref<!tpu.dma_semaphore, #tpu.memory_space<semaphore_mem>>)
    %dma_wait3A = arith.constant 0 : i32
    %dma_wait3A_14 = tpu.memref_slice %arg2[%dma_wait3A, %add3A_4] : memref<64x16384xf32, #tpu.memory_space<hbm>> -> memref<64x128xf32, #tpu.memory_space<hbm>>
    %dma_wait3A_15 = arith.constant 0 : i32
    %dma_wait3A_16 = tpu.memref_slice %arg2[%dma_wait3A_15, %add3A_4] : memref<64x16384xf32, #tpu.memory_space<hbm>> -> memref<64x128xf32, #tpu.memory_space<hbm>>
    tpu.wait_dma2 semaphore(%arg11 : memref<!tpu.dma_semaphore, #tpu.memory_space<semaphore_mem>>) src(%dma_wait3A_16 : memref<64x128xf32, #tpu.memory_space<hbm>>) dst(%arg5 : memref<64x128xf32, #tpu.memory_space<vmem>>)
    %scan3A = arith.constant 0 : i32
    %scan3A_17 = arith.constant 0 : i32
    %scan3A_18 = arith.constant 8 : i32
    %scan3A_19 = arith.addi %scan3A_17, %scan3A_18 : i32
    %scan3A_20 = arith.constant 1 : i32
    scf.for %scan3A_144 = %scan3A_17 to %scan3A_19 step %scan3A_20  : i32 {
      %broadcast_in_dim3A = arith.constant -1.000000e+30 : f32
      %broadcast_in_dim3A_145 = vector.broadcast %broadcast_in_dim3A : f32 to vector<16xf32>
      %broadcast_in_dim3A_146 = arith.constant -1.000000e+30 : f32
      %broadcast_in_dim3A_147 = vector.broadcast %broadcast_in_dim3A_146 : f32 to vector<16xf32>
      %broadcast_in_dim3A_148 = arith.constant 0 : i32
      %broadcast_in_dim3A_149 = vector.broadcast %broadcast_in_dim3A_148 : i32 to vector<16xi32>
      %broadcast_in_dim3A_150 = arith.constant 0 : i32
      %broadcast_in_dim3A_151 = vector.broadcast %broadcast_in_dim3A_150 : i32 to vector<16xi32>
      %broadcast_in_dim3A_152 = arith.constant 0.000000e+00 : f32
      %broadcast_in_dim3A_153 = vector.broadcast %broadcast_in_dim3A_152 : f32 to vector<16xf32>
      %broadcast_in_dim3A_154 = arith.constant -1 : i32
      %broadcast_in_dim3A_155 = vector.broadcast %broadcast_in_dim3A_154 : i32 to vector<16xi32>
      %scan3A_156 = arith.constant 0 : i32
      %scan3A_157 = arith.constant 64 : i32
      %scan3A_158 = arith.addi %scan3A_156, %scan3A_157 : i32
      %scan3A_159 = arith.constant 4 : i32
      %scan3A_160:6 = scf.for %scan3A_190 = %scan3A_156 to %scan3A_158 step %scan3A_159 iter_args(%scan3A_191 = %broadcast_in_dim3A_145, %scan3A_192 = %broadcast_in_dim3A_147, %scan3A_193 = %broadcast_in_dim3A_149, %scan3A_194 = %broadcast_in_dim3A_151, %scan3A_195 = %broadcast_in_dim3A_153, %scan3A_196 = %broadcast_in_dim3A_155) -> (vector<16xf32>, vector<16xf32>, vector<16xi32>, vector<16xi32>, vector<16xf32>, vector<16xi32>)  : i32 {
        %mul3A_197 = arith.constant 16 : i32
        %mul3A_198 = arith.muli %scan3A_144, %mul3A_197 : i32
        %get3A = arith.index_cast %scan3A_190 : i32 to index
        %get3A_199 = arith.index_cast %mul3A_198 : i32 to index
        %get3A_200 = tpu.vector_load %arg5[%get3A, %get3A_199] {strides = array<i32>} : memref<64x128xf32, #tpu.memory_space<vmem>>, vector<16xf32>,
        %add3A_201 = arith.constant 1 : i32
        %add3A_202 = vector.broadcast %add3A_201 : i32 to vector<16xi32>
        %add3A_203 = arith.addi %scan3A_196, %add3A_202 : vector<16xi32>
        %gt3A = arith.cmpf ogt, %get3A_200, %scan3A_191 : vector<16xf32>
        %gt3A_204 = arith.cmpf ogt, %get3A_200, %scan3A_192 : vector<16xf32>
        %select_n3A = arith.select %gt3A_204, %add3A_203, %scan3A_194 : vector<16xi1>, vector<16xi32>
        %select_n3A_205 = arith.select %gt3A, %scan3A_193, %select_n3A : vector<16xi1>, vector<16xi32>
        %min3A = arith.minimumf %scan3A_191, %get3A_200 : vector<16xf32>
        %max3A = arith.maximumf %scan3A_192, %min3A : vector<16xf32>
        %select_n3A_206 = arith.select %gt3A, %add3A_203, %scan3A_193 : vector<16xi1>, vector<16xi32>
        %max3A_207 = arith.maximumf %scan3A_191, %get3A_200 : vector<16xf32>
        %exp3A_208 = math.exp %get3A_200 : vector<16xf32>
        %add3A_209 = arith.addf %scan3A_195, %exp3A_208 : vector<16xf32>
        %scan3A_210 = arith.constant 1 : i32
        %scan3A_211 = arith.addi %scan3A_190, %scan3A_210 : i32
        %mul3A_212 = arith.constant 16 : i32
        %mul3A_213 = arith.muli %scan3A_144, %mul3A_212 : i32
        %get3A_214 = arith.index_cast %scan3A_211 : i32 to index
        %get3A_215 = arith.index_cast %mul3A_213 : i32 to index
        %get3A_216 = tpu.vector_load %arg5[%get3A_214, %get3A_215] {strides = array<i32>} : memref<64x128xf32, #tpu.memory_space<vmem>>, vector<16xf32>,
        %add3A_217 = arith.constant 1 : i32
        %add3A_218 = vector.broadcast %add3A_217 : i32 to vector<16xi32>
        %add3A_219 = arith.addi %add3A_203, %add3A_218 : vector<16xi32>
        %gt3A_220 = arith.cmpf ogt, %get3A_216, %max3A_207 : vector<16xf32>
        %gt3A_221 = arith.cmpf ogt, %get3A_216, %max3A : vector<16xf32>
        %select_n3A_222 = arith.select %gt3A_221, %add3A_219, %select_n3A_205 : vector<16xi1>, vector<16xi32>
        %select_n3A_223 = arith.select %gt3A_220, %select_n3A_206, %select_n3A_222 : vector<16xi1>, vector<16xi32>
        %min3A_224 = arith.minimumf %max3A_207, %get3A_216 : vector<16xf32>
        %max3A_225 = arith.maximumf %max3A, %min3A_224 : vector<16xf32>
        %select_n3A_226 = arith.select %gt3A_220, %add3A_219, %select_n3A_206 : vector<16xi1>, vector<16xi32>
        %max3A_227 = arith.maximumf %max3A_207, %get3A_216 : vector<16xf32>
        %exp3A_228 = math.exp %get3A_216 : vector<16xf32>
        %add3A_229 = arith.addf %add3A_209, %exp3A_228 : vector<16xf32>
        %scan3A_230 = arith.constant 2 : i32
        %scan3A_231 = arith.addi %scan3A_190, %scan3A_230 : i32
        %mul3A_232 = arith.constant 16 : i32
        %mul3A_233 = arith.muli %scan3A_144, %mul3A_232 : i32
        %get3A_234 = arith.index_cast %scan3A_231 : i32 to index
        %get3A_235 = arith.index_cast %mul3A_233 : i32 to index
        %get3A_236 = tpu.vector_load %arg5[%get3A_234, %get3A_235] {strides = array<i32>} : memref<64x128xf32, #tpu.memory_space<vmem>>, vector<16xf32>,
        %add3A_237 = arith.constant 1 : i32
        %add3A_238 = vector.broadcast %add3A_237 : i32 to vector<16xi32>
        %add3A_239 = arith.addi %add3A_219, %add3A_238 : vector<16xi32>
        %gt3A_240 = arith.cmpf ogt, %get3A_236, %max3A_227 : vector<16xf32>
        %gt3A_241 = arith.cmpf ogt, %get3A_236, %max3A_225 : vector<16xf32>
        %select_n3A_242 = arith.select %gt3A_241, %add3A_239, %select_n3A_223 : vector<16xi1>, vector<16xi32>
        %select_n3A_243 = arith.select %gt3A_240, %select_n3A_226, %select_n3A_242 : vector<16xi1>, vector<16xi32>
        %min3A_244 = arith.minimumf %max3A_227, %get3A_236 : vector<16xf32>
        %max3A_245 = arith.maximumf %max3A_225, %min3A_244 : vector<16xf32>
        %select_n3A_246 = arith.select %gt3A_240, %add3A_239, %select_n3A_226 : vector<16xi1>, vector<16xi32>
        %max3A_247 = arith.maximumf %max3A_227, %get3A_236 : vector<16xf32>
        %exp3A_248 = math.exp %get3A_236 : vector<16xf32>
        %add3A_249 = arith.addf %add3A_229, %exp3A_248 : vector<16xf32>
        %scan3A_250 = arith.constant 3 : i32
        %scan3A_251 = arith.addi %scan3A_190, %scan3A_250 : i32
        %mul3A_252 = arith.constant 16 : i32
        %mul3A_253 = arith.muli %scan3A_144, %mul3A_252 : i32
        %get3A_254 = arith.index_cast %scan3A_251 : i32 to index
        %get3A_255 = arith.index_cast %mul3A_253 : i32 to index
        %get3A_256 = tpu.vector_load %arg5[%get3A_254, %get3A_255] {strides = array<i32>} : memref<64x128xf32, #tpu.memory_space<vmem>>, vector<16xf32>,
        %add3A_257 = arith.constant 1 : i32
        %add3A_258 = vector.broadcast %add3A_257 : i32 to vector<16xi32>
        %add3A_259 = arith.addi %add3A_239, %add3A_258 : vector<16xi32>
        %gt3A_260 = arith.cmpf ogt, %get3A_256, %max3A_247 : vector<16xf32>
        %gt3A_261 = arith.cmpf ogt, %get3A_256, %max3A_245 : vector<16xf32>
        %select_n3A_262 = arith.select %gt3A_261, %add3A_259, %select_n3A_243 : vector<16xi1>, vector<16xi32>
        %select_n3A_263 = arith.select %gt3A_260, %select_n3A_246, %select_n3A_262 : vector<16xi1>, vector<16xi32>
        %min3A_264 = arith.minimumf %max3A_247, %get3A_256 : vector<16xf32>
        %max3A_265 = arith.maximumf %max3A_245, %min3A_264 : vector<16xf32>
        %select_n3A_266 = arith.select %gt3A_260, %add3A_259, %select_n3A_246 : vector<16xi1>, vector<16xi32>
        %max3A_267 = arith.maximumf %max3A_247, %get3A_256 : vector<16xf32>
        %exp3A_268 = math.exp %get3A_256 : vector<16xf32>
        %add3A_269 = arith.addf %add3A_249, %exp3A_268 : vector<16xf32>
        scf.yield %max3A_267, %max3A_265, %select_n3A_266, %select_n3A_263, %add3A_269, %add3A_259 : vector<16xf32>, vector<16xf32>, vector<16xi32>, vector<16xi32>, vector<16xf32>, vector<16xi32>
      }
      %scan3A_161 = arith.constant 64 : i32
      %div3A = arith.constant 1.000000e+00 : f32
      %div3A_162 = vector.broadcast %div3A : f32 to vector<16xf32>
      %div3A_163 = arith.divf %div3A_162, %scan3A_160#4 : vector<16xf32>
      %exp3A = math.exp %scan3A_160#0 : vector<16xf32>
      %mul3A_164 = arith.mulf %exp3A, %div3A_163 : vector<16xf32>
      %mul3A_165 = arith.constant 16 : i32
      %mul3A_166 = arith.muli %scan3A_144, %mul3A_165 : i32
      %swap3A = arith.constant 0 : i32
      %swap3A_167 = arith.index_cast %swap3A : i32 to index
      %swap3A_168 = arith.index_cast %mul3A_166 : i32 to index
      %swap3A_169 = tpu.vector_load %arg7[%swap3A_167, %swap3A_168] {strides = array<i32>} : memref<2x128xf32, #tpu.memory_space<vmem>>, vector<16xf32>,
      tpu.vector_store %arg7[%swap3A_167, %swap3A_168], %mul3A_164 {strides = array<i32>} : memref<2x128xf32, #tpu.memory_space<vmem>>, vector<16xf32>,
      %exp3A_170 = math.exp %scan3A_160#1 : vector<16xf32>
      %mul3A_171 = arith.mulf %exp3A_170, %div3A_163 : vector<16xf32>
      %mul3A_172 = arith.constant 16 : i32
      %mul3A_173 = arith.muli %scan3A_144, %mul3A_172 : i32
      %swap3A_174 = arith.constant 1 : i32
      %swap3A_175 = arith.index_cast %swap3A_174 : i32 to index
      %swap3A_176 = arith.index_cast %mul3A_173 : i32 to index
      %swap3A_177 = tpu.vector_load %arg7[%swap3A_175, %swap3A_176] {strides = array<i32>} : memref<2x128xf32, #tpu.memory_space<vmem>>, vector<16xf32>,
      tpu.vector_store %arg7[%swap3A_175, %swap3A_176], %mul3A_171 {strides = array<i32>} : memref<2x128xf32, #tpu.memory_space<vmem>>, vector<16xf32>,
      %mul3A_178 = arith.constant 16 : i32
      %mul3A_179 = arith.muli %scan3A_144, %mul3A_178 : i32
      %swap3A_180 = arith.constant 0 : i32
      %swap3A_181 = arith.index_cast %swap3A_180 : i32 to index
      %swap3A_182 = arith.index_cast %mul3A_179 : i32 to index
      %swap3A_183 = tpu.vector_load %arg9[%swap3A_181, %swap3A_182] {strides = array<i32>} : memref<2x128xi32, #tpu.memory_space<vmem>>, vector<16xi32>,
      tpu.vector_store %arg9[%swap3A_181, %swap3A_182], %scan3A_160#2 {strides = array<i32>} : memref<2x128xi32, #tpu.memory_space<vmem>>, vector<16xi32>,
      %mul3A_184 = arith.constant 16 : i32
      %mul3A_185 = arith.muli %scan3A_144, %mul3A_184 : i32
      %swap3A_186 = arith.constant 1 : i32
      %swap3A_187 = arith.index_cast %swap3A_186 : i32 to index
      %swap3A_188 = arith.index_cast %mul3A_185 : i32 to index
      %swap3A_189 = tpu.vector_load %arg9[%swap3A_187, %swap3A_188] {strides = array<i32>} : memref<2x128xi32, #tpu.memory_space<vmem>>, vector<16xi32>,
      tpu.vector_store %arg9[%swap3A_187, %swap3A_188], %scan3A_160#3 {strides = array<i32>} : memref<2x128xi32, #tpu.memory_space<vmem>>, vector<16xi32>,
    }
    %scan3A_21 = arith.constant 8 : i32
    %add3A_22 = arith.constant 0 : i32
    %add3A_23 = arith.addi %mul3A_2, %add3A_22 : i32
    %dma_start3A_24 = arith.constant 0 : i32
    %dma_start3A_25 = tpu.memref_slice %arg3[%dma_start3A_24, %add3A_23] : memref<2x16384xf32, #tpu.memory_space<hbm>> -> memref<2x128xf32, #tpu.memory_space<hbm>>
    %dma_start3A_26 = arith.constant 0 : i32
    %dma_start3A_27 = tpu.memref_slice %arg3[%dma_start3A_26, %add3A_23] : memref<2x16384xf32, #tpu.memory_space<hbm>> -> memref<2x128xf32, #tpu.memory_space<hbm>>
    tpu.enqueue_dma source(%arg7 : memref<2x128xf32, #tpu.memory_space<vmem>>) target(%dma_start3A_27 : memref<2x128xf32, #tpu.memory_space<hbm>>) target_semaphore(%arg13 : memref<!tpu.dma_semaphore, #tpu.memory_space<semaphore_mem>>)
    %add3A_28 = arith.constant 0 : i32
    %add3A_29 = arith.addi %mul3A_2, %add3A_28 : i32
    %dma_start3A_30 = arith.constant 0 : i32
    %dma_start3A_31 = tpu.memref_slice %arg4[%dma_start3A_30, %add3A_29] : memref<2x16384xi32, #tpu.memory_space<hbm>> -> memref<2x128xi32, #tpu.memory_space<hbm>>
    %dma_start3A_32 = arith.constant 0 : i32
    %dma_start3A_33 = tpu.memref_slice %arg4[%dma_start3A_32, %add3A_29] : memref<2x16384xi32, #tpu.memory_space<hbm>> -> memref<2x128xi32, #tpu.memory_space<hbm>>
    tpu.enqueue_dma source(%arg9 : memref<2x128xi32, #tpu.memory_space<vmem>>) target(%dma_start3A_33 : memref<2x128xi32, #tpu.memory_space<hbm>>) target_semaphore(%arg15 : memref<!tpu.dma_semaphore, #tpu.memory_space<semaphore_mem>>)
    %add3A_34 = arith.constant 256 : i32
    %add3A_35 = arith.addi %mul3A_2, %add3A_34 : i32
    %dma_start3A_36 = arith.constant 0 : i32
    %dma_start3A_37 = tpu.memref_slice %arg2[%dma_start3A_36, %add3A_35] : memref<64x16384xf32, #tpu.memory_space<hbm>> -> memref<64x128xf32, #tpu.memory_space<hbm>>
    %dma_start3A_38 = arith.constant 0 : i32
    %dma_start3A_39 = tpu.memref_slice %arg2[%dma_start3A_38, %add3A_35] : memref<64x16384xf32, #tpu.memory_space<hbm>> -> memref<64x128xf32, #tpu.memory_space<hbm>>
    tpu.enqueue_dma source(%dma_start3A_39 : memref<64x128xf32, #tpu.memory_space<hbm>>) target(%arg5 : memref<64x128xf32, #tpu.memory_space<vmem>>) target_semaphore(%arg11 : memref<!tpu.dma_semaphore, #tpu.memory_space<semaphore_mem>>)
    %dma_wait3A_40 = arith.constant 0 : i32
    %dma_wait3A_41 = tpu.memref_slice %arg2[%dma_wait3A_40, %add3A_9] : memref<64x16384xf32, #tpu.memory_space<hbm>> -> memref<64x128xf32, #tpu.memory_space<hbm>>
    %dma_wait3A_42 = arith.constant 0 : i32
    %dma_wait3A_43 = tpu.memref_slice %arg2[%dma_wait3A_42, %add3A_9] : memref<64x16384xf32, #tpu.memory_space<hbm>> -> memref<64x128xf32, #tpu.memory_space<hbm>>
    tpu.wait_dma2 semaphore(%arg12 : memref<!tpu.dma_semaphore, #tpu.memory_space<semaphore_mem>>) src(%dma_wait3A_43 : memref<64x128xf32, #tpu.memory_space<hbm>>) dst(%arg6 : memref<64x128xf32, #tpu.memory_space<vmem>>)
    %scan3A_44 = arith.constant 0 : i32
    %scan3A_45 = arith.constant 0 : i32
    %scan3A_46 = arith.constant 8 : i32
    %scan3A_47 = arith.addi %scan3A_45, %scan3A_46 : i32
    %scan3A_48 = arith.constant 1 : i32
    scf.for %scan3A_144 = %scan3A_45 to %scan3A_47 step %scan3A_48  : i32 {
      %broadcast_in_dim3A = arith.constant -1.000000e+30 : f32
      %broadcast_in_dim3A_145 = vector.broadcast %broadcast_in_dim3A : f32 to vector<16xf32>
      %broadcast_in_dim3A_146 = arith.constant -1.000000e+30 : f32
      %broadcast_in_dim3A_147 = vector.broadcast %broadcast_in_dim3A_146 : f32 to vector<16xf32>
      %broadcast_in_dim3A_148 = arith.constant 0 : i32
      %broadcast_in_dim3A_149 = vector.broadcast %broadcast_in_dim3A_148 : i32 to vector<16xi32>
      %broadcast_in_dim3A_150 = arith.constant 0 : i32
      %broadcast_in_dim3A_151 = vector.broadcast %broadcast_in_dim3A_150 : i32 to vector<16xi32>
      %broadcast_in_dim3A_152 = arith.constant 0.000000e+00 : f32
      %broadcast_in_dim3A_153 = vector.broadcast %broadcast_in_dim3A_152 : f32 to vector<16xf32>
      %broadcast_in_dim3A_154 = arith.constant -1 : i32
      %broadcast_in_dim3A_155 = vector.broadcast %broadcast_in_dim3A_154 : i32 to vector<16xi32>
      %scan3A_156 = arith.constant 0 : i32
      %scan3A_157 = arith.constant 64 : i32
      %scan3A_158 = arith.addi %scan3A_156, %scan3A_157 : i32
      %scan3A_159 = arith.constant 4 : i32
      %scan3A_160:6 = scf.for %scan3A_190 = %scan3A_156 to %scan3A_158 step %scan3A_159 iter_args(%scan3A_191 = %broadcast_in_dim3A_145, %scan3A_192 = %broadcast_in_dim3A_147, %scan3A_193 = %broadcast_in_dim3A_149, %scan3A_194 = %broadcast_in_dim3A_151, %scan3A_195 = %broadcast_in_dim3A_153, %scan3A_196 = %broadcast_in_dim3A_155) -> (vector<16xf32>, vector<16xf32>, vector<16xi32>, vector<16xi32>, vector<16xf32>, vector<16xi32>)  : i32 {
        %mul3A_197 = arith.constant 16 : i32
        %mul3A_198 = arith.muli %scan3A_144, %mul3A_197 : i32
        %get3A = arith.index_cast %scan3A_190 : i32 to index
        %get3A_199 = arith.index_cast %mul3A_198 : i32 to index
        %get3A_200 = tpu.vector_load %arg6[%get3A, %get3A_199] {strides = array<i32>} : memref<64x128xf32, #tpu.memory_space<vmem>>, vector<16xf32>,
        %add3A_201 = arith.constant 1 : i32
        %add3A_202 = vector.broadcast %add3A_201 : i32 to vector<16xi32>
        %add3A_203 = arith.addi %scan3A_196, %add3A_202 : vector<16xi32>
        %gt3A = arith.cmpf ogt, %get3A_200, %scan3A_191 : vector<16xf32>
        %gt3A_204 = arith.cmpf ogt, %get3A_200, %scan3A_192 : vector<16xf32>
        %select_n3A = arith.select %gt3A_204, %add3A_203, %scan3A_194 : vector<16xi1>, vector<16xi32>
        %select_n3A_205 = arith.select %gt3A, %scan3A_193, %select_n3A : vector<16xi1>, vector<16xi32>
        %min3A = arith.minimumf %scan3A_191, %get3A_200 : vector<16xf32>
        %max3A = arith.maximumf %scan3A_192, %min3A : vector<16xf32>
        %select_n3A_206 = arith.select %gt3A, %add3A_203, %scan3A_193 : vector<16xi1>, vector<16xi32>
        %max3A_207 = arith.maximumf %scan3A_191, %get3A_200 : vector<16xf32>
        %exp3A_208 = math.exp %get3A_200 : vector<16xf32>
        %add3A_209 = arith.addf %scan3A_195, %exp3A_208 : vector<16xf32>
        %scan3A_210 = arith.constant 1 : i32
        %scan3A_211 = arith.addi %scan3A_190, %scan3A_210 : i32
        %mul3A_212 = arith.constant 16 : i32
        %mul3A_213 = arith.muli %scan3A_144, %mul3A_212 : i32
        %get3A_214 = arith.index_cast %scan3A_211 : i32 to index
        %get3A_215 = arith.index_cast %mul3A_213 : i32 to index
        %get3A_216 = tpu.vector_load %arg6[%get3A_214, %get3A_215] {strides = array<i32>} : memref<64x128xf32, #tpu.memory_space<vmem>>, vector<16xf32>,
        %add3A_217 = arith.constant 1 : i32
        %add3A_218 = vector.broadcast %add3A_217 : i32 to vector<16xi32>
        %add3A_219 = arith.addi %add3A_203, %add3A_218 : vector<16xi32>
        %gt3A_220 = arith.cmpf ogt, %get3A_216, %max3A_207 : vector<16xf32>
        %gt3A_221 = arith.cmpf ogt, %get3A_216, %max3A : vector<16xf32>
        %select_n3A_222 = arith.select %gt3A_221, %add3A_219, %select_n3A_205 : vector<16xi1>, vector<16xi32>
        %select_n3A_223 = arith.select %gt3A_220, %select_n3A_206, %select_n3A_222 : vector<16xi1>, vector<16xi32>
        %min3A_224 = arith.minimumf %max3A_207, %get3A_216 : vector<16xf32>
        %max3A_225 = arith.maximumf %max3A, %min3A_224 : vector<16xf32>
        %select_n3A_226 = arith.select %gt3A_220, %add3A_219, %select_n3A_206 : vector<16xi1>, vector<16xi32>
        %max3A_227 = arith.maximumf %max3A_207, %get3A_216 : vector<16xf32>
        %exp3A_228 = math.exp %get3A_216 : vector<16xf32>
        %add3A_229 = arith.addf %add3A_209, %exp3A_228 : vector<16xf32>
        %scan3A_230 = arith.constant 2 : i32
        %scan3A_231 = arith.addi %scan3A_190, %scan3A_230 : i32
        %mul3A_232 = arith.constant 16 : i32
        %mul3A_233 = arith.muli %scan3A_144, %mul3A_232 : i32
        %get3A_234 = arith.index_cast %scan3A_231 : i32 to index
        %get3A_235 = arith.index_cast %mul3A_233 : i32 to index
        %get3A_236 = tpu.vector_load %arg6[%get3A_234, %get3A_235] {strides = array<i32>} : memref<64x128xf32, #tpu.memory_space<vmem>>, vector<16xf32>,
        %add3A_237 = arith.constant 1 : i32
        %add3A_238 = vector.broadcast %add3A_237 : i32 to vector<16xi32>
        %add3A_239 = arith.addi %add3A_219, %add3A_238 : vector<16xi32>
        %gt3A_240 = arith.cmpf ogt, %get3A_236, %max3A_227 : vector<16xf32>
        %gt3A_241 = arith.cmpf ogt, %get3A_236, %max3A_225 : vector<16xf32>
        %select_n3A_242 = arith.select %gt3A_241, %add3A_239, %select_n3A_223 : vector<16xi1>, vector<16xi32>
        %select_n3A_243 = arith.select %gt3A_240, %select_n3A_226, %select_n3A_242 : vector<16xi1>, vector<16xi32>
        %min3A_244 = arith.minimumf %max3A_227, %get3A_236 : vector<16xf32>
        %max3A_245 = arith.maximumf %max3A_225, %min3A_244 : vector<16xf32>
        %select_n3A_246 = arith.select %gt3A_240, %add3A_239, %select_n3A_226 : vector<16xi1>, vector<16xi32>
        %max3A_247 = arith.maximumf %max3A_227, %get3A_236 : vector<16xf32>
        %exp3A_248 = math.exp %get3A_236 : vector<16xf32>
        %add3A_249 = arith.addf %add3A_229, %exp3A_248 : vector<16xf32>
        %scan3A_250 = arith.constant 3 : i32
        %scan3A_251 = arith.addi %scan3A_190, %scan3A_250 : i32
        %mul3A_252 = arith.constant 16 : i32
        %mul3A_253 = arith.muli %scan3A_144, %mul3A_252 : i32
        %get3A_254 = arith.index_cast %scan3A_251 : i32 to index
        %get3A_255 = arith.index_cast %mul3A_253 : i32 to index
        %get3A_256 = tpu.vector_load %arg6[%get3A_254, %get3A_255] {strides = array<i32>} : memref<64x128xf32, #tpu.memory_space<vmem>>, vector<16xf32>,
        %add3A_257 = arith.constant 1 : i32
        %add3A_258 = vector.broadcast %add3A_257 : i32 to vector<16xi32>
        %add3A_259 = arith.addi %add3A_239, %add3A_258 : vector<16xi32>
        %gt3A_260 = arith.cmpf ogt, %get3A_256, %max3A_247 : vector<16xf32>
        %gt3A_261 = arith.cmpf ogt, %get3A_256, %max3A_245 : vector<16xf32>
        %select_n3A_262 = arith.select %gt3A_261, %add3A_259, %select_n3A_243 : vector<16xi1>, vector<16xi32>
        %select_n3A_263 = arith.select %gt3A_260, %select_n3A_246, %select_n3A_262 : vector<16xi1>, vector<16xi32>
        %min3A_264 = arith.minimumf %max3A_247, %get3A_256 : vector<16xf32>
        %max3A_265 = arith.maximumf %max3A_245, %min3A_264 : vector<16xf32>
        %select_n3A_266 = arith.select %gt3A_260, %add3A_259, %select_n3A_246 : vector<16xi1>, vector<16xi32>
        %max3A_267 = arith.maximumf %max3A_247, %get3A_256 : vector<16xf32>
        %exp3A_268 = math.exp %get3A_256 : vector<16xf32>
        %add3A_269 = arith.addf %add3A_249, %exp3A_268 : vector<16xf32>
        scf.yield %max3A_267, %max3A_265, %select_n3A_266, %select_n3A_263, %add3A_269, %add3A_259 : vector<16xf32>, vector<16xf32>, vector<16xi32>, vector<16xi32>, vector<16xf32>, vector<16xi32>
      }
      %scan3A_161 = arith.constant 64 : i32
      %div3A = arith.constant 1.000000e+00 : f32
      %div3A_162 = vector.broadcast %div3A : f32 to vector<16xf32>
      %div3A_163 = arith.divf %div3A_162, %scan3A_160#4 : vector<16xf32>
      %exp3A = math.exp %scan3A_160#0 : vector<16xf32>
      %mul3A_164 = arith.mulf %exp3A, %div3A_163 : vector<16xf32>
      %mul3A_165 = arith.constant 16 : i32
      %mul3A_166 = arith.muli %scan3A_144, %mul3A_165 : i32
      %swap3A = arith.constant 0 : i32
      %swap3A_167 = arith.index_cast %swap3A : i32 to index
      %swap3A_168 = arith.index_cast %mul3A_166 : i32 to index
      %swap3A_169 = tpu.vector_load %arg8[%swap3A_167, %swap3A_168] {strides = array<i32>} : memref<2x128xf32, #tpu.memory_space<vmem>>, vector<16xf32>,
      tpu.vector_store %arg8[%swap3A_167, %swap3A_168], %mul3A_164 {strides = array<i32>} : memref<2x128xf32, #tpu.memory_space<vmem>>, vector<16xf32>,
      %exp3A_170 = math.exp %scan3A_160#1 : vector<16xf32>
      %mul3A_171 = arith.mulf %exp3A_170, %div3A_163 : vector<16xf32>
      %mul3A_172 = arith.constant 16 : i32
      %mul3A_173 = arith.muli %scan3A_144, %mul3A_172 : i32
      %swap3A_174 = arith.constant 1 : i32
      %swap3A_175 = arith.index_cast %swap3A_174 : i32 to index
      %swap3A_176 = arith.index_cast %mul3A_173 : i32 to index
      %swap3A_177 = tpu.vector_load %arg8[%swap3A_175, %swap3A_176] {strides = array<i32>} : memref<2x128xf32, #tpu.memory_space<vmem>>, vector<16xf32>,
      tpu.vector_store %arg8[%swap3A_175, %swap3A_176], %mul3A_171 {strides = array<i32>} : memref<2x128xf32, #tpu.memory_space<vmem>>, vector<16xf32>,
      %mul3A_178 = arith.constant 16 : i32
      %mul3A_179 = arith.muli %scan3A_144, %mul3A_178 : i32
      %swap3A_180 = arith.constant 0 : i32
      %swap3A_181 = arith.index_cast %swap3A_180 : i32 to index
      %swap3A_182 = arith.index_cast %mul3A_179 : i32 to index
      %swap3A_183 = tpu.vector_load %arg10[%swap3A_181, %swap3A_182] {strides = array<i32>} : memref<2x128xi32, #tpu.memory_space<vmem>>, vector<16xi32>,
      tpu.vector_store %arg10[%swap3A_181, %swap3A_182], %scan3A_160#2 {strides = array<i32>} : memref<2x128xi32, #tpu.memory_space<vmem>>, vector<16xi32>,
      %mul3A_184 = arith.constant 16 : i32
      %mul3A_185 = arith.muli %scan3A_144, %mul3A_184 : i32
      %swap3A_186 = arith.constant 1 : i32
      %swap3A_187 = arith.index_cast %swap3A_186 : i32 to index
      %swap3A_188 = arith.index_cast %mul3A_185 : i32 to index
      %swap3A_189 = tpu.vector_load %arg10[%swap3A_187, %swap3A_188] {strides = array<i32>} : memref<2x128xi32, #tpu.memory_space<vmem>>, vector<16xi32>,
      tpu.vector_store %arg10[%swap3A_187, %swap3A_188], %scan3A_160#3 {strides = array<i32>} : memref<2x128xi32, #tpu.memory_space<vmem>>, vector<16xi32>,
    }
    %scan3A_49 = arith.constant 8 : i32
    %add3A_50 = arith.constant 128 : i32
    %add3A_51 = arith.addi %mul3A_2, %add3A_50 : i32
    %dma_start3A_52 = arith.constant 0 : i32
    %dma_start3A_53 = tpu.memref_slice %arg3[%dma_start3A_52, %add3A_51] : memref<2x16384xf32, #tpu.memory_space<hbm>> -> memref<2x128xf32, #tpu.memory_space<hbm>>
    %dma_start3A_54 = arith.constant 0 : i32
    %dma_start3A_55 = tpu.memref_slice %arg3[%dma_start3A_54, %add3A_51] : memref<2x16384xf32, #tpu.memory_space<hbm>> -> memref<2x128xf32, #tpu.memory_space<hbm>>
    tpu.enqueue_dma source(%arg8 : memref<2x128xf32, #tpu.memory_space<vmem>>) target(%dma_start3A_55 : memref<2x128xf32, #tpu.memory_space<hbm>>) target_semaphore(%arg14 : memref<!tpu.dma_semaphore, #tpu.memory_space<semaphore_mem>>)
    %add3A_56 = arith.constant 128 : i32
    %add3A_57 = arith.addi %mul3A_2, %add3A_56 : i32
    %dma_start3A_58 = arith.constant 0 : i32
    %dma_start3A_59 = tpu.memref_slice %arg4[%dma_start3A_58, %add3A_57] : memref<2x16384xi32, #tpu.memory_space<hbm>> -> memref<2x128xi32, #tpu.memory_space<hbm>>
    %dma_start3A_60 = arith.constant 0 : i32
    %dma_start3A_61 = tpu.memref_slice %arg4[%dma_start3A_60, %add3A_57] : memref<2x16384xi32, #tpu.memory_space<hbm>> -> memref<2x128xi32, #tpu.memory_space<hbm>>
    tpu.enqueue_dma source(%arg10 : memref<2x128xi32, #tpu.memory_space<vmem>>) target(%dma_start3A_61 : memref<2x128xi32, #tpu.memory_space<hbm>>) target_semaphore(%arg16 : memref<!tpu.dma_semaphore, #tpu.memory_space<semaphore_mem>>)
    %add3A_62 = arith.constant 384 : i32
    %add3A_63 = arith.addi %mul3A_2, %add3A_62 : i32
    %dma_start3A_64 = arith.constant 0 : i32
    %dma_start3A_65 = tpu.memref_slice %arg2[%dma_start3A_64, %add3A_63] : memref<64x16384xf32, #tpu.memory_space<hbm>> -> memref<64x128xf32, #tpu.memory_space<hbm>>
    %dma_start3A_66 = arith.constant 0 : i32
    %dma_start3A_67 = tpu.memref_slice %arg2[%dma_start3A_66, %add3A_63] : memref<64x16384xf32, #tpu.memory_space<hbm>> -> memref<64x128xf32, #tpu.memory_space<hbm>>
    tpu.enqueue_dma source(%dma_start3A_67 : memref<64x128xf32, #tpu.memory_space<hbm>>) target(%arg6 : memref<64x128xf32, #tpu.memory_space<vmem>>) target_semaphore(%arg12 : memref<!tpu.dma_semaphore, #tpu.memory_space<semaphore_mem>>)
    %dma_wait3A_68 = arith.constant 0 : i32
    %dma_wait3A_69 = tpu.memref_slice %arg2[%dma_wait3A_68, %add3A_35] : memref<64x16384xf32, #tpu.memory_space<hbm>> -> memref<64x128xf32, #tpu.memory_space<hbm>>
    %dma_wait3A_70 = arith.constant 0 : i32
    %dma_wait3A_71 = tpu.memref_slice %arg2[%dma_wait3A_70, %add3A_35] : memref<64x16384xf32, #tpu.memory_space<hbm>> -> memref<64x128xf32, #tpu.memory_space<hbm>>
    tpu.wait_dma2 semaphore(%arg11 : memref<!tpu.dma_semaphore, #tpu.memory_space<semaphore_mem>>) src(%dma_wait3A_71 : memref<64x128xf32, #tpu.memory_space<hbm>>) dst(%arg5 : memref<64x128xf32, #tpu.memory_space<vmem>>)
    %dma_wait3A_72 = arith.constant 0 : i32
    %dma_wait3A_73 = tpu.memref_slice %arg3[%dma_wait3A_72, %add3A_23] : memref<2x16384xf32, #tpu.memory_space<hbm>> -> memref<2x128xf32, #tpu.memory_space<hbm>>
    %dma_wait3A_74 = arith.constant 0 : i32
    %dma_wait3A_75 = tpu.memref_slice %arg3[%dma_wait3A_74, %add3A_23] : memref<2x16384xf32, #tpu.memory_space<hbm>> -> memref<2x128xf32, #tpu.memory_space<hbm>>
    tpu.wait_dma2 semaphore(%arg13 : memref<!tpu.dma_semaphore, #tpu.memory_space<semaphore_mem>>) src(%arg7 : memref<2x128xf32, #tpu.memory_space<vmem>>) dst(%dma_wait3A_75 : memref<2x128xf32, #tpu.memory_space<hbm>>)
    %dma_wait3A_76 = arith.constant 0 : i32
    %dma_wait3A_77 = tpu.memref_slice %arg4[%dma_wait3A_76, %add3A_29] : memref<2x16384xi32, #tpu.memory_space<hbm>> -> memref<2x128xi32, #tpu.memory_space<hbm>>
    %dma_wait3A_78 = arith.constant 0 : i32
    %dma_wait3A_79 = tpu.memref_slice %arg4[%dma_wait3A_78, %add3A_29] : memref<2x16384xi32, #tpu.memory_space<hbm>> -> memref<2x128xi32, #tpu.memory_space<hbm>>
    tpu.wait_dma2 semaphore(%arg15 : memref<!tpu.dma_semaphore, #tpu.memory_space<semaphore_mem>>) src(%arg9 : memref<2x128xi32, #tpu.memory_space<vmem>>) dst(%dma_wait3A_79 : memref<2x128xi32, #tpu.memory_space<hbm>>)
    %scan3A_80 = arith.constant 0 : i32
    %scan3A_81 = arith.constant 0 : i32
    %scan3A_82 = arith.constant 8 : i32
    %scan3A_83 = arith.addi %scan3A_81, %scan3A_82 : i32
    %scan3A_84 = arith.constant 1 : i32
    scf.for %scan3A_144 = %scan3A_81 to %scan3A_83 step %scan3A_84  : i32 {
      %broadcast_in_dim3A = arith.constant -1.000000e+30 : f32
      %broadcast_in_dim3A_145 = vector.broadcast %broadcast_in_dim3A : f32 to vector<16xf32>
      %broadcast_in_dim3A_146 = arith.constant -1.000000e+30 : f32
      %broadcast_in_dim3A_147 = vector.broadcast %broadcast_in_dim3A_146 : f32 to vector<16xf32>
      %broadcast_in_dim3A_148 = arith.constant 0 : i32
      %broadcast_in_dim3A_149 = vector.broadcast %broadcast_in_dim3A_148 : i32 to vector<16xi32>
      %broadcast_in_dim3A_150 = arith.constant 0 : i32
      %broadcast_in_dim3A_151 = vector.broadcast %broadcast_in_dim3A_150 : i32 to vector<16xi32>
      %broadcast_in_dim3A_152 = arith.constant 0.000000e+00 : f32
      %broadcast_in_dim3A_153 = vector.broadcast %broadcast_in_dim3A_152 : f32 to vector<16xf32>
      %broadcast_in_dim3A_154 = arith.constant -1 : i32
      %broadcast_in_dim3A_155 = vector.broadcast %broadcast_in_dim3A_154 : i32 to vector<16xi32>
      %scan3A_156 = arith.constant 0 : i32
      %scan3A_157 = arith.constant 64 : i32
      %scan3A_158 = arith.addi %scan3A_156, %scan3A_157 : i32
      %scan3A_159 = arith.constant 4 : i32
      %scan3A_160:6 = scf.for %scan3A_190 = %scan3A_156 to %scan3A_158 step %scan3A_159 iter_args(%scan3A_191 = %broadcast_in_dim3A_145, %scan3A_192 = %broadcast_in_dim3A_147, %scan3A_193 = %broadcast_in_dim3A_149, %scan3A_194 = %broadcast_in_dim3A_151, %scan3A_195 = %broadcast_in_dim3A_153, %scan3A_196 = %broadcast_in_dim3A_155) -> (vector<16xf32>, vector<16xf32>, vector<16xi32>, vector<16xi32>, vector<16xf32>, vector<16xi32>)  : i32 {
        %mul3A_197 = arith.constant 16 : i32
        %mul3A_198 = arith.muli %scan3A_144, %mul3A_197 : i32
        %get3A = arith.index_cast %scan3A_190 : i32 to index
        %get3A_199 = arith.index_cast %mul3A_198 : i32 to index
        %get3A_200 = tpu.vector_load %arg5[%get3A, %get3A_199] {strides = array<i32>} : memref<64x128xf32, #tpu.memory_space<vmem>>, vector<16xf32>,
        %add3A_201 = arith.constant 1 : i32
        %add3A_202 = vector.broadcast %add3A_201 : i32 to vector<16xi32>
        %add3A_203 = arith.addi %scan3A_196, %add3A_202 : vector<16xi32>
        %gt3A = arith.cmpf ogt, %get3A_200, %scan3A_191 : vector<16xf32>
        %gt3A_204 = arith.cmpf ogt, %get3A_200, %scan3A_192 : vector<16xf32>
        %select_n3A = arith.select %gt3A_204, %add3A_203, %scan3A_194 : vector<16xi1>, vector<16xi32>
        %select_n3A_205 = arith.select %gt3A, %scan3A_193, %select_n3A : vector<16xi1>, vector<16xi32>
        %min3A = arith.minimumf %scan3A_191, %get3A_200 : vector<16xf32>
        %max3A = arith.maximumf %scan3A_192, %min3A : vector<16xf32>
        %select_n3A_206 = arith.select %gt3A, %add3A_203, %scan3A_193 : vector<16xi1>, vector<16xi32>
        %max3A_207 = arith.maximumf %scan3A_191, %get3A_200 : vector<16xf32>
        %exp3A_208 = math.exp %get3A_200 : vector<16xf32>
        %add3A_209 = arith.addf %scan3A_195, %exp3A_208 : vector<16xf32>
        %scan3A_210 = arith.constant 1 : i32
        %scan3A_211 = arith.addi %scan3A_190, %scan3A_210 : i32
        %mul3A_212 = arith.constant 16 : i32
        %mul3A_213 = arith.muli %scan3A_144, %mul3A_212 : i32
        %get3A_214 = arith.index_cast %scan3A_211 : i32 to index
        %get3A_215 = arith.index_cast %mul3A_213 : i32 to index
        %get3A_216 = tpu.vector_load %arg5[%get3A_214, %get3A_215] {strides = array<i32>} : memref<64x128xf32, #tpu.memory_space<vmem>>, vector<16xf32>,
        %add3A_217 = arith.constant 1 : i32
        %add3A_218 = vector.broadcast %add3A_217 : i32 to vector<16xi32>
        %add3A_219 = arith.addi %add3A_203, %add3A_218 : vector<16xi32>
        %gt3A_220 = arith.cmpf ogt, %get3A_216, %max3A_207 : vector<16xf32>
        %gt3A_221 = arith.cmpf ogt, %get3A_216, %max3A : vector<16xf32>
        %select_n3A_222 = arith.select %gt3A_221, %add3A_219, %select_n3A_205 : vector<16xi1>, vector<16xi32>
        %select_n3A_223 = arith.select %gt3A_220, %select_n3A_206, %select_n3A_222 : vector<16xi1>, vector<16xi32>
        %min3A_224 = arith.minimumf %max3A_207, %get3A_216 : vector<16xf32>
        %max3A_225 = arith.maximumf %max3A, %min3A_224 : vector<16xf32>
        %select_n3A_226 = arith.select %gt3A_220, %add3A_219, %select_n3A_206 : vector<16xi1>, vector<16xi32>
        %max3A_227 = arith.maximumf %max3A_207, %get3A_216 : vector<16xf32>
        %exp3A_228 = math.exp %get3A_216 : vector<16xf32>
        %add3A_229 = arith.addf %add3A_209, %exp3A_228 : vector<16xf32>
        %scan3A_230 = arith.constant 2 : i32
        %scan3A_231 = arith.addi %scan3A_190, %scan3A_230 : i32
        %mul3A_232 = arith.constant 16 : i32
        %mul3A_233 = arith.muli %scan3A_144, %mul3A_232 : i32
        %get3A_234 = arith.index_cast %scan3A_231 : i32 to index
        %get3A_235 = arith.index_cast %mul3A_233 : i32 to index
        %get3A_236 = tpu.vector_load %arg5[%get3A_234, %get3A_235] {strides = array<i32>} : memref<64x128xf32, #tpu.memory_space<vmem>>, vector<16xf32>,
        %add3A_237 = arith.constant 1 : i32
        %add3A_238 = vector.broadcast %add3A_237 : i32 to vector<16xi32>
        %add3A_239 = arith.addi %add3A_219, %add3A_238 : vector<16xi32>
        %gt3A_240 = arith.cmpf ogt, %get3A_236, %max3A_227 : vector<16xf32>
        %gt3A_241 = arith.cmpf ogt, %get3A_236, %max3A_225 : vector<16xf32>
        %select_n3A_242 = arith.select %gt3A_241, %add3A_239, %select_n3A_223 : vector<16xi1>, vector<16xi32>
        %select_n3A_243 = arith.select %gt3A_240, %select_n3A_226, %select_n3A_242 : vector<16xi1>, vector<16xi32>
        %min3A_244 = arith.minimumf %max3A_227, %get3A_236 : vector<16xf32>
        %max3A_245 = arith.maximumf %max3A_225, %min3A_244 : vector<16xf32>
        %select_n3A_246 = arith.select %gt3A_240, %add3A_239, %select_n3A_226 : vector<16xi1>, vector<16xi32>
        %max3A_247 = arith.maximumf %max3A_227, %get3A_236 : vector<16xf32>
        %exp3A_248 = math.exp %get3A_236 : vector<16xf32>
        %add3A_249 = arith.addf %add3A_229, %exp3A_248 : vector<16xf32>
        %scan3A_250 = arith.constant 3 : i32
        %scan3A_251 = arith.addi %scan3A_190, %scan3A_250 : i32
        %mul3A_252 = arith.constant 16 : i32
        %mul3A_253 = arith.muli %scan3A_144, %mul3A_252 : i32
        %get3A_254 = arith.index_cast %scan3A_251 : i32 to index
        %get3A_255 = arith.index_cast %mul3A_253 : i32 to index
        %get3A_256 = tpu.vector_load %arg5[%get3A_254, %get3A_255] {strides = array<i32>} : memref<64x128xf32, #tpu.memory_space<vmem>>, vector<16xf32>,
        %add3A_257 = arith.constant 1 : i32
        %add3A_258 = vector.broadcast %add3A_257 : i32 to vector<16xi32>
        %add3A_259 = arith.addi %add3A_239, %add3A_258 : vector<16xi32>
        %gt3A_260 = arith.cmpf ogt, %get3A_256, %max3A_247 : vector<16xf32>
        %gt3A_261 = arith.cmpf ogt, %get3A_256, %max3A_245 : vector<16xf32>
        %select_n3A_262 = arith.select %gt3A_261, %add3A_259, %select_n3A_243 : vector<16xi1>, vector<16xi32>
        %select_n3A_263 = arith.select %gt3A_260, %select_n3A_246, %select_n3A_262 : vector<16xi1>, vector<16xi32>
        %min3A_264 = arith.minimumf %max3A_247, %get3A_256 : vector<16xf32>
        %max3A_265 = arith.maximumf %max3A_245, %min3A_264 : vector<16xf32>
        %select_n3A_266 = arith.select %gt3A_260, %add3A_259, %select_n3A_246 : vector<16xi1>, vector<16xi32>
        %max3A_267 = arith.maximumf %max3A_247, %get3A_256 : vector<16xf32>
        %exp3A_268 = math.exp %get3A_256 : vector<16xf32>
        %add3A_269 = arith.addf %add3A_249, %exp3A_268 : vector<16xf32>
        scf.yield %max3A_267, %max3A_265, %select_n3A_266, %select_n3A_263, %add3A_269, %add3A_259 : vector<16xf32>, vector<16xf32>, vector<16xi32>, vector<16xi32>, vector<16xf32>, vector<16xi32>
      }
      %scan3A_161 = arith.constant 64 : i32
      %div3A = arith.constant 1.000000e+00 : f32
      %div3A_162 = vector.broadcast %div3A : f32 to vector<16xf32>
      %div3A_163 = arith.divf %div3A_162, %scan3A_160#4 : vector<16xf32>
      %exp3A = math.exp %scan3A_160#0 : vector<16xf32>
      %mul3A_164 = arith.mulf %exp3A, %div3A_163 : vector<16xf32>
      %mul3A_165 = arith.constant 16 : i32
      %mul3A_166 = arith.muli %scan3A_144, %mul3A_165 : i32
      %swap3A = arith.constant 0 : i32
      %swap3A_167 = arith.index_cast %swap3A : i32 to index
      %swap3A_168 = arith.index_cast %mul3A_166 : i32 to index
      %swap3A_169 = tpu.vector_load %arg7[%swap3A_167, %swap3A_168] {strides = array<i32>} : memref<2x128xf32, #tpu.memory_space<vmem>>, vector<16xf32>,
      tpu.vector_store %arg7[%swap3A_167, %swap3A_168], %mul3A_164 {strides = array<i32>} : memref<2x128xf32, #tpu.memory_space<vmem>>, vector<16xf32>,
      %exp3A_170 = math.exp %scan3A_160#1 : vector<16xf32>
      %mul3A_171 = arith.mulf %exp3A_170, %div3A_163 : vector<16xf32>
      %mul3A_172 = arith.constant 16 : i32
      %mul3A_173 = arith.muli %scan3A_144, %mul3A_172 : i32
      %swap3A_174 = arith.constant 1 : i32
      %swap3A_175 = arith.index_cast %swap3A_174 : i32 to index
      %swap3A_176 = arith.index_cast %mul3A_173 : i32 to index
      %swap3A_177 = tpu.vector_load %arg7[%swap3A_175, %swap3A_176] {strides = array<i32>} : memref<2x128xf32, #tpu.memory_space<vmem>>, vector<16xf32>,
      tpu.vector_store %arg7[%swap3A_175, %swap3A_176], %mul3A_171 {strides = array<i32>} : memref<2x128xf32, #tpu.memory_space<vmem>>, vector<16xf32>,
      %mul3A_178 = arith.constant 16 : i32
      %mul3A_179 = arith.muli %scan3A_144, %mul3A_178 : i32
      %swap3A_180 = arith.constant 0 : i32
      %swap3A_181 = arith.index_cast %swap3A_180 : i32 to index
      %swap3A_182 = arith.index_cast %mul3A_179 : i32 to index
      %swap3A_183 = tpu.vector_load %arg9[%swap3A_181, %swap3A_182] {strides = array<i32>} : memref<2x128xi32, #tpu.memory_space<vmem>>, vector<16xi32>,
      tpu.vector_store %arg9[%swap3A_181, %swap3A_182], %scan3A_160#2 {strides = array<i32>} : memref<2x128xi32, #tpu.memory_space<vmem>>, vector<16xi32>,
      %mul3A_184 = arith.constant 16 : i32
      %mul3A_185 = arith.muli %scan3A_144, %mul3A_184 : i32
      %swap3A_186 = arith.constant 1 : i32
      %swap3A_187 = arith.index_cast %swap3A_186 : i32 to index
      %swap3A_188 = arith.index_cast %mul3A_185 : i32 to index
      %swap3A_189 = tpu.vector_load %arg9[%swap3A_187, %swap3A_188] {strides = array<i32>} : memref<2x128xi32, #tpu.memory_space<vmem>>, vector<16xi32>,
      tpu.vector_store %arg9[%swap3A_187, %swap3A_188], %scan3A_160#3 {strides = array<i32>} : memref<2x128xi32, #tpu.memory_space<vmem>>, vector<16xi32>,
    }
    %scan3A_85 = arith.constant 8 : i32
    %add3A_86 = arith.constant 256 : i32
    %add3A_87 = arith.addi %mul3A_2, %add3A_86 : i32
    %dma_start3A_88 = arith.constant 0 : i32
    %dma_start3A_89 = tpu.memref_slice %arg3[%dma_start3A_88, %add3A_87] : memref<2x16384xf32, #tpu.memory_space<hbm>> -> memref<2x128xf32, #tpu.memory_space<hbm>>
    %dma_start3A_90 = arith.constant 0 : i32
    %dma_start3A_91 = tpu.memref_slice %arg3[%dma_start3A_90, %add3A_87] : memref<2x16384xf32, #tpu.memory_space<hbm>> -> memref<2x128xf32, #tpu.memory_space<hbm>>
    tpu.enqueue_dma source(%arg7 : memref<2x128xf32, #tpu.memory_space<vmem>>) target(%dma_start3A_91 : memref<2x128xf32, #tpu.memory_space<hbm>>) target_semaphore(%arg13 : memref<!tpu.dma_semaphore, #tpu.memory_space<semaphore_mem>>)
    %add3A_92 = arith.constant 256 : i32
    %add3A_93 = arith.addi %mul3A_2, %add3A_92 : i32
    %dma_start3A_94 = arith.constant 0 : i32
    %dma_start3A_95 = tpu.memref_slice %arg4[%dma_start3A_94, %add3A_93] : memref<2x16384xi32, #tpu.memory_space<hbm>> -> memref<2x128xi32, #tpu.memory_space<hbm>>
    %dma_start3A_96 = arith.constant 0 : i32
    %dma_start3A_97 = tpu.memref_slice %arg4[%dma_start3A_96, %add3A_93] : memref<2x16384xi32, #tpu.memory_space<hbm>> -> memref<2x128xi32, #tpu.memory_space<hbm>>
    tpu.enqueue_dma source(%arg9 : memref<2x128xi32, #tpu.memory_space<vmem>>) target(%dma_start3A_97 : memref<2x128xi32, #tpu.memory_space<hbm>>) target_semaphore(%arg15 : memref<!tpu.dma_semaphore, #tpu.memory_space<semaphore_mem>>)
    %dma_wait3A_98 = arith.constant 0 : i32
    %dma_wait3A_99 = tpu.memref_slice %arg2[%dma_wait3A_98, %add3A_63] : memref<64x16384xf32, #tpu.memory_space<hbm>> -> memref<64x128xf32, #tpu.memory_space<hbm>>
    %dma_wait3A_100 = arith.constant 0 : i32
    %dma_wait3A_101 = tpu.memref_slice %arg2[%dma_wait3A_100, %add3A_63] : memref<64x16384xf32, #tpu.memory_space<hbm>> -> memref<64x128xf32, #tpu.memory_space<hbm>>
    tpu.wait_dma2 semaphore(%arg12 : memref<!tpu.dma_semaphore, #tpu.memory_space<semaphore_mem>>) src(%dma_wait3A_101 : memref<64x128xf32, #tpu.memory_space<hbm>>) dst(%arg6 : memref<64x128xf32, #tpu.memory_space<vmem>>)
    %dma_wait3A_102 = arith.constant 0 : i32
    %dma_wait3A_103 = tpu.memref_slice %arg3[%dma_wait3A_102, %add3A_51] : memref<2x16384xf32, #tpu.memory_space<hbm>> -> memref<2x128xf32, #tpu.memory_space<hbm>>
    %dma_wait3A_104 = arith.constant 0 : i32
    %dma_wait3A_105 = tpu.memref_slice %arg3[%dma_wait3A_104, %add3A_51] : memref<2x16384xf32, #tpu.memory_space<hbm>> -> memref<2x128xf32, #tpu.memory_space<hbm>>
    tpu.wait_dma2 semaphore(%arg14 : memref<!tpu.dma_semaphore, #tpu.memory_space<semaphore_mem>>) src(%arg8 : memref<2x128xf32, #tpu.memory_space<vmem>>) dst(%dma_wait3A_105 : memref<2x128xf32, #tpu.memory_space<hbm>>)
    %dma_wait3A_106 = arith.constant 0 : i32
    %dma_wait3A_107 = tpu.memref_slice %arg4[%dma_wait3A_106, %add3A_57] : memref<2x16384xi32, #tpu.memory_space<hbm>> -> memref<2x128xi32, #tpu.memory_space<hbm>>
    %dma_wait3A_108 = arith.constant 0 : i32
    %dma_wait3A_109 = tpu.memref_slice %arg4[%dma_wait3A_108, %add3A_57] : memref<2x16384xi32, #tpu.memory_space<hbm>> -> memref<2x128xi32, #tpu.memory_space<hbm>>
    tpu.wait_dma2 semaphore(%arg16 : memref<!tpu.dma_semaphore, #tpu.memory_space<semaphore_mem>>) src(%arg10 : memref<2x128xi32, #tpu.memory_space<vmem>>) dst(%dma_wait3A_109 : memref<2x128xi32, #tpu.memory_space<hbm>>)
    %scan3A_110 = arith.constant 0 : i32
    %scan3A_111 = arith.constant 0 : i32
    %scan3A_112 = arith.constant 8 : i32
    %scan3A_113 = arith.addi %scan3A_111, %scan3A_112 : i32
    %scan3A_114 = arith.constant 1 : i32
    scf.for %scan3A_144 = %scan3A_111 to %scan3A_113 step %scan3A_114  : i32 {
      %broadcast_in_dim3A = arith.constant -1.000000e+30 : f32
      %broadcast_in_dim3A_145 = vector.broadcast %broadcast_in_dim3A : f32 to vector<16xf32>
      %broadcast_in_dim3A_146 = arith.constant -1.000000e+30 : f32
      %broadcast_in_dim3A_147 = vector.broadcast %broadcast_in_dim3A_146 : f32 to vector<16xf32>
      %broadcast_in_dim3A_148 = arith.constant 0 : i32
      %broadcast_in_dim3A_149 = vector.broadcast %broadcast_in_dim3A_148 : i32 to vector<16xi32>
      %broadcast_in_dim3A_150 = arith.constant 0 : i32
      %broadcast_in_dim3A_151 = vector.broadcast %broadcast_in_dim3A_150 : i32 to vector<16xi32>
      %broadcast_in_dim3A_152 = arith.constant 0.000000e+00 : f32
      %broadcast_in_dim3A_153 = vector.broadcast %broadcast_in_dim3A_152 : f32 to vector<16xf32>
      %broadcast_in_dim3A_154 = arith.constant -1 : i32
      %broadcast_in_dim3A_155 = vector.broadcast %broadcast_in_dim3A_154 : i32 to vector<16xi32>
      %scan3A_156 = arith.constant 0 : i32
      %scan3A_157 = arith.constant 64 : i32
      %scan3A_158 = arith.addi %scan3A_156, %scan3A_157 : i32
      %scan3A_159 = arith.constant 4 : i32
      %scan3A_160:6 = scf.for %scan3A_190 = %scan3A_156 to %scan3A_158 step %scan3A_159 iter_args(%scan3A_191 = %broadcast_in_dim3A_145, %scan3A_192 = %broadcast_in_dim3A_147, %scan3A_193 = %broadcast_in_dim3A_149, %scan3A_194 = %broadcast_in_dim3A_151, %scan3A_195 = %broadcast_in_dim3A_153, %scan3A_196 = %broadcast_in_dim3A_155) -> (vector<16xf32>, vector<16xf32>, vector<16xi32>, vector<16xi32>, vector<16xf32>, vector<16xi32>)  : i32 {
        %mul3A_197 = arith.constant 16 : i32
        %mul3A_198 = arith.muli %scan3A_144, %mul3A_197 : i32
        %get3A = arith.index_cast %scan3A_190 : i32 to index
        %get3A_199 = arith.index_cast %mul3A_198 : i32 to index
        %get3A_200 = tpu.vector_load %arg6[%get3A, %get3A_199] {strides = array<i32>} : memref<64x128xf32, #tpu.memory_space<vmem>>, vector<16xf32>,
        %add3A_201 = arith.constant 1 : i32
        %add3A_202 = vector.broadcast %add3A_201 : i32 to vector<16xi32>
        %add3A_203 = arith.addi %scan3A_196, %add3A_202 : vector<16xi32>
        %gt3A = arith.cmpf ogt, %get3A_200, %scan3A_191 : vector<16xf32>
        %gt3A_204 = arith.cmpf ogt, %get3A_200, %scan3A_192 : vector<16xf32>
        %select_n3A = arith.select %gt3A_204, %add3A_203, %scan3A_194 : vector<16xi1>, vector<16xi32>
        %select_n3A_205 = arith.select %gt3A, %scan3A_193, %select_n3A : vector<16xi1>, vector<16xi32>
        %min3A = arith.minimumf %scan3A_191, %get3A_200 : vector<16xf32>
        %max3A = arith.maximumf %scan3A_192, %min3A : vector<16xf32>
        %select_n3A_206 = arith.select %gt3A, %add3A_203, %scan3A_193 : vector<16xi1>, vector<16xi32>
        %max3A_207 = arith.maximumf %scan3A_191, %get3A_200 : vector<16xf32>
        %exp3A_208 = math.exp %get3A_200 : vector<16xf32>
        %add3A_209 = arith.addf %scan3A_195, %exp3A_208 : vector<16xf32>
        %scan3A_210 = arith.constant 1 : i32
        %scan3A_211 = arith.addi %scan3A_190, %scan3A_210 : i32
        %mul3A_212 = arith.constant 16 : i32
        %mul3A_213 = arith.muli %scan3A_144, %mul3A_212 : i32
        %get3A_214 = arith.index_cast %scan3A_211 : i32 to index
        %get3A_215 = arith.index_cast %mul3A_213 : i32 to index
        %get3A_216 = tpu.vector_load %arg6[%get3A_214, %get3A_215] {strides = array<i32>} : memref<64x128xf32, #tpu.memory_space<vmem>>, vector<16xf32>,
        %add3A_217 = arith.constant 1 : i32
        %add3A_218 = vector.broadcast %add3A_217 : i32 to vector<16xi32>
        %add3A_219 = arith.addi %add3A_203, %add3A_218 : vector<16xi32>
        %gt3A_220 = arith.cmpf ogt, %get3A_216, %max3A_207 : vector<16xf32>
        %gt3A_221 = arith.cmpf ogt, %get3A_216, %max3A : vector<16xf32>
        %select_n3A_222 = arith.select %gt3A_221, %add3A_219, %select_n3A_205 : vector<16xi1>, vector<16xi32>
        %select_n3A_223 = arith.select %gt3A_220, %select_n3A_206, %select_n3A_222 : vector<16xi1>, vector<16xi32>
        %min3A_224 = arith.minimumf %max3A_207, %get3A_216 : vector<16xf32>
        %max3A_225 = arith.maximumf %max3A, %min3A_224 : vector<16xf32>
        %select_n3A_226 = arith.select %gt3A_220, %add3A_219, %select_n3A_206 : vector<16xi1>, vector<16xi32>
        %max3A_227 = arith.maximumf %max3A_207, %get3A_216 : vector<16xf32>
        %exp3A_228 = math.exp %get3A_216 : vector<16xf32>
        %add3A_229 = arith.addf %add3A_209, %exp3A_228 : vector<16xf32>
        %scan3A_230 = arith.constant 2 : i32
        %scan3A_231 = arith.addi %scan3A_190, %scan3A_230 : i32
        %mul3A_232 = arith.constant 16 : i32
        %mul3A_233 = arith.muli %scan3A_144, %mul3A_232 : i32
        %get3A_234 = arith.index_cast %scan3A_231 : i32 to index
        %get3A_235 = arith.index_cast %mul3A_233 : i32 to index
        %get3A_236 = tpu.vector_load %arg6[%get3A_234, %get3A_235] {strides = array<i32>} : memref<64x128xf32, #tpu.memory_space<vmem>>, vector<16xf32>,
        %add3A_237 = arith.constant 1 : i32
        %add3A_238 = vector.broadcast %add3A_237 : i32 to vector<16xi32>
        %add3A_239 = arith.addi %add3A_219, %add3A_238 : vector<16xi32>
        %gt3A_240 = arith.cmpf ogt, %get3A_236, %max3A_227 : vector<16xf32>
        %gt3A_241 = arith.cmpf ogt, %get3A_236, %max3A_225 : vector<16xf32>
        %select_n3A_242 = arith.select %gt3A_241, %add3A_239, %select_n3A_223 : vector<16xi1>, vector<16xi32>
        %select_n3A_243 = arith.select %gt3A_240, %select_n3A_226, %select_n3A_242 : vector<16xi1>, vector<16xi32>
        %min3A_244 = arith.minimumf %max3A_227, %get3A_236 : vector<16xf32>
        %max3A_245 = arith.maximumf %max3A_225, %min3A_244 : vector<16xf32>
        %select_n3A_246 = arith.select %gt3A_240, %add3A_239, %select_n3A_226 : vector<16xi1>, vector<16xi32>
        %max3A_247 = arith.maximumf %max3A_227, %get3A_236 : vector<16xf32>
        %exp3A_248 = math.exp %get3A_236 : vector<16xf32>
        %add3A_249 = arith.addf %add3A_229, %exp3A_248 : vector<16xf32>
        %scan3A_250 = arith.constant 3 : i32
        %scan3A_251 = arith.addi %scan3A_190, %scan3A_250 : i32
        %mul3A_252 = arith.constant 16 : i32
        %mul3A_253 = arith.muli %scan3A_144, %mul3A_252 : i32
        %get3A_254 = arith.index_cast %scan3A_251 : i32 to index
        %get3A_255 = arith.index_cast %mul3A_253 : i32 to index
        %get3A_256 = tpu.vector_load %arg6[%get3A_254, %get3A_255] {strides = array<i32>} : memref<64x128xf32, #tpu.memory_space<vmem>>, vector<16xf32>,
        %add3A_257 = arith.constant 1 : i32
        %add3A_258 = vector.broadcast %add3A_257 : i32 to vector<16xi32>
        %add3A_259 = arith.addi %add3A_239, %add3A_258 : vector<16xi32>
        %gt3A_260 = arith.cmpf ogt, %get3A_256, %max3A_247 : vector<16xf32>
        %gt3A_261 = arith.cmpf ogt, %get3A_256, %max3A_245 : vector<16xf32>
        %select_n3A_262 = arith.select %gt3A_261, %add3A_259, %select_n3A_243 : vector<16xi1>, vector<16xi32>
        %select_n3A_263 = arith.select %gt3A_260, %select_n3A_246, %select_n3A_262 : vector<16xi1>, vector<16xi32>
        %min3A_264 = arith.minimumf %max3A_247, %get3A_256 : vector<16xf32>
        %max3A_265 = arith.maximumf %max3A_245, %min3A_264 : vector<16xf32>
        %select_n3A_266 = arith.select %gt3A_260, %add3A_259, %select_n3A_246 : vector<16xi1>, vector<16xi32>
        %max3A_267 = arith.maximumf %max3A_247, %get3A_256 : vector<16xf32>
        %exp3A_268 = math.exp %get3A_256 : vector<16xf32>
        %add3A_269 = arith.addf %add3A_249, %exp3A_268 : vector<16xf32>
        scf.yield %max3A_267, %max3A_265, %select_n3A_266, %select_n3A_263, %add3A_269, %add3A_259 : vector<16xf32>, vector<16xf32>, vector<16xi32>, vector<16xi32>, vector<16xf32>, vector<16xi32>
      }
      %scan3A_161 = arith.constant 64 : i32
      %div3A = arith.constant 1.000000e+00 : f32
      %div3A_162 = vector.broadcast %div3A : f32 to vector<16xf32>
      %div3A_163 = arith.divf %div3A_162, %scan3A_160#4 : vector<16xf32>
      %exp3A = math.exp %scan3A_160#0 : vector<16xf32>
      %mul3A_164 = arith.mulf %exp3A, %div3A_163 : vector<16xf32>
      %mul3A_165 = arith.constant 16 : i32
      %mul3A_166 = arith.muli %scan3A_144, %mul3A_165 : i32
      %swap3A = arith.constant 0 : i32
      %swap3A_167 = arith.index_cast %swap3A : i32 to index
      %swap3A_168 = arith.index_cast %mul3A_166 : i32 to index
      %swap3A_169 = tpu.vector_load %arg8[%swap3A_167, %swap3A_168] {strides = array<i32>} : memref<2x128xf32, #tpu.memory_space<vmem>>, vector<16xf32>,
      tpu.vector_store %arg8[%swap3A_167, %swap3A_168], %mul3A_164 {strides = array<i32>} : memref<2x128xf32, #tpu.memory_space<vmem>>, vector<16xf32>,
      %exp3A_170 = math.exp %scan3A_160#1 : vector<16xf32>
      %mul3A_171 = arith.mulf %exp3A_170, %div3A_163 : vector<16xf32>
      %mul3A_172 = arith.constant 16 : i32
      %mul3A_173 = arith.muli %scan3A_144, %mul3A_172 : i32
      %swap3A_174 = arith.constant 1 : i32
      %swap3A_175 = arith.index_cast %swap3A_174 : i32 to index
      %swap3A_176 = arith.index_cast %mul3A_173 : i32 to index
      %swap3A_177 = tpu.vector_load %arg8[%swap3A_175, %swap3A_176] {strides = array<i32>} : memref<2x128xf32, #tpu.memory_space<vmem>>, vector<16xf32>,
      tpu.vector_store %arg8[%swap3A_175, %swap3A_176], %mul3A_171 {strides = array<i32>} : memref<2x128xf32, #tpu.memory_space<vmem>>, vector<16xf32>,
      %mul3A_178 = arith.constant 16 : i32
      %mul3A_179 = arith.muli %scan3A_144, %mul3A_178 : i32
      %swap3A_180 = arith.constant 0 : i32
      %swap3A_181 = arith.index_cast %swap3A_180 : i32 to index
      %swap3A_182 = arith.index_cast %mul3A_179 : i32 to index
      %swap3A_183 = tpu.vector_load %arg10[%swap3A_181, %swap3A_182] {strides = array<i32>} : memref<2x128xi32, #tpu.memory_space<vmem>>, vector<16xi32>,
      tpu.vector_store %arg10[%swap3A_181, %swap3A_182], %scan3A_160#2 {strides = array<i32>} : memref<2x128xi32, #tpu.memory_space<vmem>>, vector<16xi32>,
      %mul3A_184 = arith.constant 16 : i32
      %mul3A_185 = arith.muli %scan3A_144, %mul3A_184 : i32
      %swap3A_186 = arith.constant 1 : i32
      %swap3A_187 = arith.index_cast %swap3A_186 : i32 to index
      %swap3A_188 = arith.index_cast %mul3A_185 : i32 to index
      %swap3A_189 = tpu.vector_load %arg10[%swap3A_187, %swap3A_188] {strides = array<i32>} : memref<2x128xi32, #tpu.memory_space<vmem>>, vector<16xi32>,
      tpu.vector_store %arg10[%swap3A_187, %swap3A_188], %scan3A_160#3 {strides = array<i32>} : memref<2x128xi32, #tpu.memory_space<vmem>>, vector<16xi32>,
    }
    %scan3A_115 = arith.constant 8 : i32
    %add3A_116 = arith.constant 384 : i32
    %add3A_117 = arith.addi %mul3A_2, %add3A_116 : i32
    %dma_start3A_118 = arith.constant 0 : i32
    %dma_start3A_119 = tpu.memref_slice %arg3[%dma_start3A_118, %add3A_117] : memref<2x16384xf32, #tpu.memory_space<hbm>> -> memref<2x128xf32, #tpu.memory_space<hbm>>
    %dma_start3A_120 = arith.constant 0 : i32
    %dma_start3A_121 = tpu.memref_slice %arg3[%dma_start3A_120, %add3A_117] : memref<2x16384xf32, #tpu.memory_space<hbm>> -> memref<2x128xf32, #tpu.memory_space<hbm>>
    tpu.enqueue_dma source(%arg8 : memref<2x128xf32, #tpu.memory_space<vmem>>) target(%dma_start3A_121 : memref<2x128xf32, #tpu.memory_space<hbm>>) target_semaphore(%arg14 : memref<!tpu.dma_semaphore, #tpu.memory_space<semaphore_mem>>)
    %add3A_122 = arith.constant 384 : i32
    %add3A_123 = arith.addi %mul3A_2, %add3A_122 : i32
    %dma_start3A_124 = arith.constant 0 : i32
    %dma_start3A_125 = tpu.memref_slice %arg4[%dma_start3A_124, %add3A_123] : memref<2x16384xi32, #tpu.memory_space<hbm>> -> memref<2x128xi32, #tpu.memory_space<hbm>>
    %dma_start3A_126 = arith.constant 0 : i32
    %dma_start3A_127 = tpu.memref_slice %arg4[%dma_start3A_126, %add3A_123] : memref<2x16384xi32, #tpu.memory_space<hbm>> -> memref<2x128xi32, #tpu.memory_space<hbm>>
    tpu.enqueue_dma source(%arg10 : memref<2x128xi32, #tpu.memory_space<vmem>>) target(%dma_start3A_127 : memref<2x128xi32, #tpu.memory_space<hbm>>) target_semaphore(%arg16 : memref<!tpu.dma_semaphore, #tpu.memory_space<semaphore_mem>>)
    %dma_wait3A_128 = arith.constant 0 : i32
    %dma_wait3A_129 = tpu.memref_slice %arg3[%dma_wait3A_128, %add3A_87] : memref<2x16384xf32, #tpu.memory_space<hbm>> -> memref<2x128xf32, #tpu.memory_space<hbm>>
    %dma_wait3A_130 = arith.constant 0 : i32
    %dma_wait3A_131 = tpu.memref_slice %arg3[%dma_wait3A_130, %add3A_87] : memref<2x16384xf32, #tpu.memory_space<hbm>> -> memref<2x128xf32, #tpu.memory_space<hbm>>
    tpu.wait_dma2 semaphore(%arg13 : memref<!tpu.dma_semaphore, #tpu.memory_space<semaphore_mem>>) src(%arg7 : memref<2x128xf32, #tpu.memory_space<vmem>>) dst(%dma_wait3A_131 : memref<2x128xf32, #tpu.memory_space<hbm>>)
    %dma_wait3A_132 = arith.constant 0 : i32
    %dma_wait3A_133 = tpu.memref_slice %arg4[%dma_wait3A_132, %add3A_93] : memref<2x16384xi32, #tpu.memory_space<hbm>> -> memref<2x128xi32, #tpu.memory_space<hbm>>
    %dma_wait3A_134 = arith.constant 0 : i32
    %dma_wait3A_135 = tpu.memref_slice %arg4[%dma_wait3A_134, %add3A_93] : memref<2x16384xi32, #tpu.memory_space<hbm>> -> memref<2x128xi32, #tpu.memory_space<hbm>>
    tpu.wait_dma2 semaphore(%arg15 : memref<!tpu.dma_semaphore, #tpu.memory_space<semaphore_mem>>) src(%arg9 : memref<2x128xi32, #tpu.memory_space<vmem>>) dst(%dma_wait3A_135 : memref<2x128xi32, #tpu.memory_space<hbm>>)
    %dma_wait3A_136 = arith.constant 0 : i32
    %dma_wait3A_137 = tpu.memref_slice %arg3[%dma_wait3A_136, %add3A_117] : memref<2x16384xf32, #tpu.memory_space<hbm>> -> memref<2x128xf32, #tpu.memory_space<hbm>>
    %dma_wait3A_138 = arith.constant 0 : i32
    %dma_wait3A_139 = tpu.memref_slice %arg3[%dma_wait3A_138, %add3A_117] : memref<2x16384xf32, #tpu.memory_space<hbm>> -> memref<2x128xf32, #tpu.memory_space<hbm>>
    tpu.wait_dma2 semaphore(%arg14 : memref<!tpu.dma_semaphore, #tpu.memory_space<semaphore_mem>>) src(%arg8 : memref<2x128xf32, #tpu.memory_space<vmem>>) dst(%dma_wait3A_139 : memref<2x128xf32, #tpu.memory_space<hbm>>)
    %dma_wait3A_140 = arith.constant 0 : i32
    %dma_wait3A_141 = tpu.memref_slice %arg4[%dma_wait3A_140, %add3A_123] : memref<2x16384xi32, #tpu.memory_space<hbm>> -> memref<2x128xi32, #tpu.memory_space<hbm>>
    %dma_wait3A_142 = arith.constant 0 : i32
    %dma_wait3A_143 = tpu.memref_slice %arg4[%dma_wait3A_142, %add3A_123] : memref<2x16384xi32, #tpu.memory_space<hbm>> -> memref<2x128xi32, #tpu.memory_space<hbm>>
    tpu.wait_dma2 semaphore(%arg16 : memref<!tpu.dma_semaphore, #tpu.memory_space<semaphore_mem>>) src(%arg10 : memref<2x128xi32, #tpu.memory_space<vmem>>) dst(%dma_wait3A_143 : memref<2x128xi32, #tpu.memory_space<hbm>>)
    return
  }
}

</mosaic_0001>

<sc_bundles>
// kernel: kernel.3.cloned.1.call-start
scs
__scs_entry_jumppad:
0x0: {  	(pc) =	sbr.rel $0x88, $3  }
0x1: {  	(tag) =	ssettag $0x0;
	lr =	simm.s32 $0x1  }
0x2: {  	[smem:$0x3FA0] =	sst lr;
	_ =	strace $0xD0000000  }
0x3: {  	_ = 	snop  }
0x4: {  	_ = 	snop  }
0x5: {  	_ = 	snop  }
0x6: {  	_ = 	snop  }
0x7: {  	_ = 	snop  }
__scs_overlays_trampoline_lowered:
0x8: {  	[smem:$0x3FAF] =	sst s0  }
0x9: {  	[smem:$0x3FB0] =	sst s1  }
0xa: {  	[smem:$0x3FB1] =	sst s2  }
0xb: {  	[smem:$0x3FB2] =	sst s3  }
0xc: {  	[smem:$0x3FB3] =	sst s4  }
0xd: {  	[smem:$0x3FB4] =	sst s5  }
0xe: {  	[smem:$0x3FB5] =	sst s6  }
0xf: {  	[smem:$0x3FB6] =	sst s7  }
0x10: {  	[smem:$0x3FB7] =	sst s8  }
0x11: {  	[smem:$0x3FB8] =	sst s9;
	s0 =	simm.s32 @!p0 $0x0  }
0x12: {  	s1 =	sld [smem:$0x3F9E];
	s0 =	simm.s32 @p0 $0x1  }
0x13: {  	[smem:$0x3FB9] =	sst s0;
	s0 =	simm.s32 @!p1 $0x0  }
0x14: {  	s2 =	sld [smem:$0x3F9D];
	s0 =	simm.s32 @p1 $0x1  }
0x15: {  	[smem:$0x3FBA] =	sst s0;
	s0 =	simm.s32 @!p2 $0x0  }
0x16: {  	s3 =	sld [smem:$0x3FDB];
	s0 =	simm.s32 @p2 $0x1  }
0x17: {  	s4 =	simm.s32 $0x1BF5;
	[smem:$0x3FBC] =	sst s0  }
0x18: {  	s0 =	sld [smem:$0x3F9F];
	_ =	swait.ge [sflag:s4], $0x0  }
0x19: {  	s7 =	sld [smem:$0x3FA0]  }
0x1a: {  	s8 =	sadd.s32 $0xFFFFE003, lr  }
0x1b: {  	s9 =	sadd.s32 $0xFFFFFEF7, lr;
	s5 =	simm.s32 $0xFFFFFFFF;
	p2 =	slt.u32 s8, $0xFFFFF086  }
0x1c: {  	p1 =	slt.u32 s9, $0xF7A;
	s5 =	simm.s32 @!p2 $0x0  }
0x1d: {  	s5 =	simm.s32 @p1 $0x1;
	p0 =	seq.s32 s7, s2  }
0x1e: {  	s7 =	smul.u32 @!p0 $0xF7A, s2;
	p2 =	seq.s32 @!p0 s5, $0x0  }
0x1f: {  	s9 =	smul.u32 $0xF7A, s1;
	s8 =	simm.s32 @!p0 $0x1BF5;
	p2 =	por !p2, p0  }
0x20: {  	[sflag:s8] =	ssyncset.s32 @!p0 $0xFFFFF086;
	s6 =	sadd.s32 @!p0 s3, s7;
	s7 =	simm.s32 @!p0 $0x108  }
0x21: {  	s3 =	sadd.s32 s3, s9;
	s6 =	sadd.s32 @!p0 $0x88, s6;
	s7 =	simm.s32 @p2 $0x1082  }
0x22: {  	[simem:s7], [sflag:s8] =	dma.local @!p0 [hbm:s6], $0xF7A  }
0x23: {  	s9 =	sor.u32 $0xD0000000, s2;
	s6 =	simm.s32 $0x108;
	_ =	swait.ge @!p0 [sflag:s8], $0x0  }
0x24: {  	s3 =	sadd.s32 $0x88, s3;
	s6 =	simm.s32 @!p1 $0x1082;
	[sflag:s4] =	ssyncset.s32 $0xFFFFF086  }
0x25: {  	[simem:s6], [sflag:s4] =	dma.local [hbm:s3], $0xF7A  }
0x26: {  	[smem:$0x3FA0] =	sst s1;
	(tag) =	ssettag s2;
	_ =	strace s9  }
0x27: {  	s1 =	sld [smem:$0x3FB0]  }
0x28: {  	s2 =	sld [smem:$0x3FB1]  }
0x29: {  	s4 =	sld [smem:$0x3FB3]  }
0x2a: {  	p0 =	seq.s32 s5, $0x0;
	s5 =	sld [smem:$0x3FB4]  }
0x2b: {  	s6 =	sld [smem:$0x3FB5]  }
0x2c: {  	s7 =	sld [smem:$0x3FB6]  }
0x2d: {  	s3 =	simm.s32 $0x108;
	s8 =	sld [smem:$0x3FB7]  }
0x2e: {  	s3 =	simm.s32 @!p0 $0x1082;
	s9 =	sld [smem:$0x3FB8]  }
0x2f: {  	lr =	sadd.s32 s0, s3;
	s0 =	sld [smem:$0x3FAF]  }
0x30: {  	s3 =	sld [smem:$0x3FB2]  }
0x31: {  	[smem:$0x3FBB] =	sst s10  }
0x32: {  	s10 =	sld [smem:$0x3FB9];
	_ =	sdelay $0x3  }
0x33: {  	p0 =	seq.s32 s10, $0x1;
	s10 =	sld [smem:$0x3FBB];
	_ =	sdelay $0x3  }
0x34: {  	[smem:$0x3FBB] =	sst s10  }
0x35: {  	s10 =	sld [smem:$0x3FBA];
	_ =	sdelay $0x3  }
0x36: {  	p1 =	seq.s32 s10, $0x1;
	s10 =	sld [smem:$0x3FBB];
	_ =	sdelay $0x3  }
0x37: {  	[smem:$0x3FBB] =	sst s10  }
0x38: {  	s10 =	sld [smem:$0x3FBC]  }
0x39: {  	_ = 	snop;
	(pc) =	sbr.ind lr, $3  }
0x3a: {  	_ = 	snop  }
0x3b: {  	_ = 	snop  }
0x3c: {  	p2 =	seq.s32 s10, $0x1;
	s10 =	sld [smem:$0x3FBB]  }
0x3d: {  	_ =	shalt  }
0x3e: {  	_ =	shalt  }
0x3f: {  	_ =	shalt  }
0x40: {  	_ =	shalt  }
0x41: {  	_ =	shalt  }
0x42: {  	_ =	shalt  }
0x43: {  	_ =	shalt  }
0x44: {  	_ =	shalt  }
0x45: {  	_ =	shalt  }
0x46: {  	_ =	shalt  }
0x47: {  	_ =	shalt  }
0x48: {  	_ =	shalt  }
0x49: {  	_ =	shalt  }
0x4a: {  	_ =	shalt  }
0x4b: {  	_ =	shalt  }
0x4c: {  	_ =	shalt  }
0x4d: {  	_ =	shalt  }
0x4e: {  	_ =	shalt  }
0x4f: {  	_ =	shalt  }
0x50: {  	_ =	shalt  }
0x51: {  	_ =	shalt  }
0x52: {  	_ =	shalt  }
0x53: {  	_ =	shalt  }
0x54: {  	_ =	shalt  }
0x55: {  	_ =	shalt  }
0x56: {  	_ =	shalt  }
0x57: {  	_ =	shalt  }
0x58: {  	_ =	shalt  }
0x59: {  	_ =	shalt  }
0x5a: {  	_ =	shalt  }
0x5b: {  	_ =	shalt  }
0x5c: {  	_ =	shalt  }
0x5d: {  	_ =	shalt  }
0x5e: {  	_ =	shalt  }
0x5f: {  	_ =	shalt  }
0x60: {  	_ =	shalt  }
0x61: {  	_ =	shalt  }
0x62: {  	_ =	shalt  }
0x63: {  	_ =	shalt  }
0x64: {  	_ =	shalt  }
0x65: {  	_ =	shalt  }
0x66: {  	_ =	shalt  }
0x67: {  	_ =	shalt  }
0x68: {  	_ =	shalt  }
0x69: {  	_ =	shalt  }
0x6a: {  	_ =	shalt  }
0x6b: {  	_ =	shalt  }
0x6c: {  	_ =	shalt  }
0x6d: {  	_ =	shalt  }
0x6e: {  	_ =	shalt  }
0x6f: {  	_ =	shalt  }
0x70: {  	_ =	shalt  }
0x71: {  	_ =	shalt  }
0x72: {  	_ =	shalt  }
0x73: {  	_ =	shalt  }
0x74: {  	_ =	shalt  }
0x75: {  	_ =	shalt  }
0x76: {  	_ =	shalt  }
0x77: {  	_ =	shalt  }
0x78: {  	_ =	shalt  }
0x79: {  	_ =	shalt  }
0x7a: {  	_ =	shalt  }
0x7b: {  	_ =	shalt  }
0x7c: {  	_ =	shalt  }
0x7d: {  	_ =	shalt  }
0x7e: {  	_ =	shalt  }
0x7f: {  	_ =	shalt  }
0x80: {  	_ =	shalt  }
0x81: {  	_ =	shalt  }
0x82: {  	_ =	shalt  }
0x83: {  	_ =	shalt  }
0x84: {  	_ =	shalt  }
0x85: {  	_ =	shalt  }
0x86: {  	_ =	shalt  }
0x87: {  	_ =	shalt  }
.Lfunc_end0:
.L_simem_size_0:
called_computation_lowered:
.L_overlay_start_0:
0x88: {  	s2 =	sld [smem:$0x3FD9]  }
0x89: {  	s3 =	sld [smem:$0x3FFE];
	_ =	sdelay $0x1  }
0x8a: {  	s1 =	srdreg.scid  }
0x8b: {  	s0 =	sand.u32 $0x1, s1  }
0x8c: {  	s15 =	sshll.u32 s0, $0xA;
	s2 =	sadd.s32 s3, s2  }
0x8d: {  	s2 =	sadd.s32 s2, s15  }
0x8e: {  	[smem:$0x3FC7] =	sst s2  }
0x8f: {  	_ = 	snop  }
0x90: {  	s2 =	sld [smem:$0x3FD0];
	_ =	sdelay $0x2  }
0x91: {  	s4 =	simm.s32 $0xA;
	s5 =	simm.s32 $0x10;
	s16 =	sld [smem:$0x3FC9]  }
0x92: {  	[smem:s5], [sflag:s4] =	dma.local [hbm:s2], $0x1  }
0x93: {  	_ =	swait.eq [sflag:s4], $0x1  }
0x94: {  	[sflag:s4] =	ssyncset.done $0x0  }
0x95: {  	s17 =	sld [smem:$0x10];
	[sflag:s4] =	ssyncadd.s32 $0xFFFFFFFF  }
0x96: {  	s18 =	sld [smem:$0x11];
	(tm) =	ssettm $0x1  }
0x97: {  	s19 =	sld [smem:$0x3FFB];
	_ =	sdelay $0x3  }
0x98: {  	_ =	strace s19  }
0x99: {  	s5 =	sld [smem:$0x3FFC];
	_ =	sdelay $0x3  }
0x9a: {  	_ =	strace s5  }
0x9b: {  	s5 =	sld [smem:$0x3FFD];
	_ =	sdelay $0x3  }
0x9c: {  	_ =	strace s5  }
0x9d: {  	_ =	strace $0x8FFFFFFF  }
0x9e: {  	s20 =	sld [smem:$0x3FDB];
	_ =	sdelay $0x1  }
0x9f: {  	s6 =	simm.s32 $_scs_section_size  }
0xa0: {  	s7 =	simm.s32 $_size__tile_overlayer_lowered;
	s8 =	simm.s32 $_tile_overlayer_lowered  }
0xa1: {  	s23 =	simm.s32 $0x1BFF;
	s22 =	sshll.u32 s8, $0x1;
	s5 =	sadd.s32 s6, s20  }
0xa2: {  	s9 =	simm.s32 $0x0;
	s21 =	sshll.u32 s7, $0x1;
	s7 =	sadd.s32 s22, s5  }
0xa3: {  	[timem:s9], [sflag:s23] =	dma.local [hbm:s7], s21  }
0xa4: {  	_ =	swait.ge [sflag:s23], s21  }
0xa5: {  	s6 =	ssub.s32 $0x0, s21;
	[sflag:s23] =	ssyncset.done $0x0  }
0xa6: {  	[sflag:s23] =	ssyncadd.s32 s6;
	_ =	sdelay $0x1  }
0xa7: {  	s24 =	simm.s32 $0x1B8B  }
0xa8: {  	_ =	swait.ge [sflag:s24], $0x1  }
0xa9: {  	[sflag:s24] =	ssyncset.done $0x0  }
0xaa: {  	s25 =	simm.s32 $0x1B8E;
	[sflag:s24] =	ssyncadd.s32 $0xFFFFFFFF  }
0xab: {  	s26 =	simm.s32 $execute0_lowered;
	[smem:$0x3FD2] =	sst s25  }
0xac: {  	s6 =	sshll.u32 s26, $0x1;
	_ =	strace $0x80000046;
	[dreg:$0x1] =	wrdreg $0xFFFFFFFF  }
0xad: {  	s28 =	simm.s32 $_size_execute0_lowered;
	s5 =	sadd.s32 s5, s6;
	[dreg:$0x0] =	wrdreg $0x0  }
0xae: {  	s6 =	sshll.u32 s28, $0x1;
	[dreg:$0x2] =	wrdreg s5  }
0xaf: {  	[dreg:$0x3] =	wrdreg s6  }
0xb0: {  	[dreg:$0x4] =	wrdreg $0xC0  }
0xb1: {  	_ =	task [dreg:s9], $0x5FFFF  }
0xb2: {  	[dreg:$0x1] =	wrdreg $0xFFFFFFFF  }
0xb3: {  	[dreg:$0x0] =	wrdreg $0x60  }
0xb4: {  	[dreg:$0x2] =	wrdreg s16  }
0xb5: {  	[dreg:$0x3] =	wrdreg s17  }
0xb6: {  	[dreg:$0x4] =	wrdreg s18  }
0xb7: {  	[dreg:$0x5] =	wrdreg $0x9  }
0xb8: {  	_ =	task.clear_ibuf [dreg:s9], $0x6FFFF;
	_ =	strace $0x90000046  }
0xb9: {  	s29 =	simm.s32 $0x9;
	_ =	strace $0x80000048  }
0xba: {  	_ =	swait.ge [sflag:s29], $0x1  }
0xbb: {  	[sflag:s29] =	ssyncadd.s32 $0xFFFFFFFF  }
0xbc: {  	_ =	strace $0x90000048  }
0xbd: {  	_ =	sfence  }
0xbe: {  	s30 =	sld [smem:$0x0];
	_ =	sdelay $0x2  }
0xbf: {  	s31 =	sshll.u32 s1, $0xD;
	s1 =	sshrl.u32 s1, $0x2  }
0xc0: {  	s3 =	sand.u32 $0x4000, s31;
	s1 =	sadd.s32 s1, s30  }
0xc1: {  	s0 =	sor.u32 s3, s0;
	s1 =	sshll.u32 s1, $0x11  }
0xc2: {  	s0 =	sor.u32 s1, s0  }
0xc3: {  	s0 =	sadd.s32 $0x8F2B, s0  }
0xc4: {  	[sflag:s0] =	ssyncadd.remote.s32 $0x1  }
0xc5: {  	_ =	sfence.sel $0xFFFF  }
0xc6: {  	[dreg:$0x0] =	wrdreg $0xFFFFFFFF;
	(pc) =	sbr.abs _section_cstart, $3  }
0xc7: {  	[dreg:$0x1] =	wrdreg $0xFFFFFFFF  }
0xc8: {  	_ =	task.clear_ibuf [dreg:s9], $0x2FFFF;
	_ =	strace $0x9FFFFFFF  }
0xc9: {  	(tm) =	ssettm $0x7FFFFFFF  }
tec
execute0_lowered:
.L_overlay_start_1:
0x0: {  	(tag) =	ssettag $0x1  }
0x1: {  	s0 =	rddreg [dreg:$0x0]  }
0x2: {  	s1 =	rddreg [dreg:$0x1]  }
0x3: {  	s2 =	srdreg.scid;
	s3 =	rddreg [dreg:$0x2]  }
0x4: {  	s5 =	stileid.u32;
	s16 =	simm.s32 $0x400;
	s17 =	simm.s32 $0x20000  }
0x5: {  	s18 =	simm.s32 $0x2000;
	s19 =	simm.s32 $0x1;
	s20 =	simm.s32 $0x4000  }
0x6: {  	s28 =	simm.s32 $0x4;
	s29 =	simm.s32 $0x6;
	s30 =	simm.s32 $0x0  }
0x7: {  	s4 =	sand.u32 $0x1, s2;
	s5 =	sshll.u32 s5, $0xA;
	s2 =	simm.s32 $0x0  }
0x8: {  	s6 =	sshll.u32 s4, $0x9;
	s4 =	ssub.s32 $0x2, s4;
	[smem:$0x7FF] =	sst s2  }
0x9: {  	s5 =	sor.u32 s6, s5;
	s21 =	sshrl.u32 s4, $0x1;
	_ =	strace $0x80000047  }
0xa: {  	s9 =	sshrl.u32 s5, $0x7;
	s4 =	ssub.s32 s4, s21;
	s22 =	sadd.s32 s0, s5  }
0xb: {  	s8 =	sshrl.u32 s5, $0x2;
	s21 =	simm.s32 $0x4200;
	s7 =	sor.u32 $0x1, s9  }
0xc: {  	[dreg:$0x4] =	wrdreg s22;
	s5 =	sadd.s32 s1, s8;
	s10 =	sor.u32 $0x2, s9  }
0xd: {  	s6 =	sadd.s32 s3, s8;
	s12 =	sor.u32 $0x3, s9;
	s15 =	smax.u32 s4, $0x1  }
0xe: {  	s22 =	simm.s32 $0x2;
	s23 =	sshll.u32 s7, $0x7;
	s25 =	sshll.u32 s10, $0x7  }
0xf: {  	s11 =	sshll.u32 s7, $0x5;
	s26 =	sshll.u32 s12, $0x7;
	s13 =	sshll.u32 s10, $0x5  }
0x10: {  	s31 =	sshll.u32 s12, $0x5;
	s24 =	sadd.s32 s0, s23;
	s7 =	sadd.s32 s0, s25  }
0x11: {  	s8 =	sadd.s32 s1, s11;
	s9 =	sadd.s32 s3, s11;
	s10 =	sadd.s32 s0, s26  }
0x12: {  	s11 =	sadd.s32 s1, s13;
	s12 =	sadd.s32 s3, s13;
	s13 =	sadd.s32 s1, s31  }
0x13: {  	s14 =	sadd.s32 s3, s31;
	s23 =	simm.s32 $0x4100;
	s25 =	simm.s32 $0x3  }
0x14: {  	s26 =	simm.s32 $0x5;
	[dreg:$0x5] =	wrdreg s24;
	s24 =	simm.s32 $0x4300  }
.LBB2_1:
0x15: {  	s0 =	rddreg [dreg:$0x4]  }
0x16: {  	[tilespmem:s2], [sflag:$0x1] =	stream.strided.gather [hbm4b:s0+s16], $0x2000, s17, s16, $0x38;
	[tilespmem:$0x4400] =	vst v63  }
0x17: {  	s4 =	rddreg [dreg:$0x5]  }
0x18: {  	[tilespmem:s18], [sflag:$0x2] =	stream.strided.gather [hbm4b:s4+s16], $0x2000, s17, s16, $0x38;
	[tilespmem:$0x4400] =	vst v63  }
0x19: {  	_ =	swait.ge [sflag:s19], $0x2000  }
0x1a: {  	[sflag:s19] =	ssyncset.done $0x0  }
0x1b: {  	s31 =	simm.s32 $0x100;
	s0 =	simm.s32 $0x0;
	[sflag:s19] =	ssyncadd.s32 $0xFFFFE000  }
.LBB2_2:
0x1c: {  	v4 =	vld [tilespmem:s31+$0xFFFFFF00];
	_ =	sdelay $0x2  }
0x1d: {  	v7 =	vld [tilespmem:s31+$0xFFFFFF80];
	v6 =	vimm.s32 $0xFFFFFFFF  }
0x1e: {  	v0 =	vld [tilespmem:s31+$0x80];
	v5 =	vimm.f32 $-1.000000020e+30;
	v2 =	vadd.s32 $0x2, v6;
	v1 =	vadd.s32 $0x3, v6  }
0x1f: {  	v3 =	vadd.s32 $0x4, v6;
	v10 =	vadd.s32 $0x1, v6;
	v6 =	vmul.f32 $1.442695020e+00, v4  }
0x20: {  	v16 =	vmax.f32 v5, v4  }
0x21: {  	v15 =	vld [tilespmem:s31+$0x0];
	vm1 =	vgt.f32 v4, v5;
	v4 =	vmin.f32 v5, v4;
	(erf) = vpow2.f32 v6  }
0x22: {  	v4 =	vmax.f32 v5, v4;
	v5 =	vmul.f32 $1.442695020e+00, v7  }
0x23: {  	v14 =	vimm.s32 $0x0;
	v9 =	vimm.f32 $0.0e+00;
	v17 =	vmul.f32 $1.442695020e+00, v0  }
0x24: {  	v13 =	vsel vm1, v10, v14;
	v6 =	vmin.f32 v16, v7;
	(erf) = vpow2.f32 v5  }
0x25: {  	vm3 =	vgt.f32 v7, v4;
	v8 =	vmax.f32 v4, v6;
	v4 =	vsel vm1, v14, v13  }
0x26: {  	v12 =	vmax.f32 v16, v7;
	v10 =	vmul.f32 $1.442695020e+00, v15;
	v4 =	vsel vm3, v2, v4  }
0x27: {  	vm2 =	vgt.f32 v7, v16;
	v6 =	vmax.f32 v12, v15;
	(erf) = vpow2.f32 v17  }
0x28: {  	vm0 =	vgt.f32 v15, v12;
	v11 =	vmin.f32 v12, v15;
	v12 =	vmin.f32 v6, v0  }
0x29: {  	s1 =	sshll.u32 s0, $0x4;
	s3 =	simm.s32 $0x0;
	s4 =	sadd.s32 $0x200, s31;
	v5 =	vmax.f32 v6, v0;
	vm1 =	vgt.f32 v15, v8;
	v7 =	vsel vm2, v13, v4;
	v4 =	vmovc v3  }
.LBB2_3:
0x2a: {  	v14 =	vld [tilespmem:s4+$0xFFFFFF00];
	s3 =	sadd.s32 $0x4, s3;
	v13 =	vsel vm2, v2, v13;
	v2 =	vmax.f32 v8, v11;
	vm2 =	vgt.f32 v0, v6;
	v6 =	vpop (erf)  }
0x2b: {  	p0 =	slt.u32 s3, $0x3C;
	v8 =	vsel vm0, v1, v13;
	vm3 =	vgt.f32 v0, v2;
	v0 =	vld [tilespmem:s4+$0x80];
	v11 =	vmax.f32 v2, v12;
	v12 =	vmovc v3  }
0x2c: {  	v6 =	vadd.f32 v6, v9;
	v15 =	vld [tilespmem:s4+$0x0];
	v9 =	vsel vm2, v4, v8;
	(erf) = vpow2.f32 v10  }
0x2d: {  	v3 =	vadd.s32 $0x4, v3;
	v2 =	vadd.s32 $0x2, v12;
	v10 =	vadd.s32 $0x3, v12;
	v16 =	vld [tilespmem:s4+$0xFFFFFF80];
	v17 =	vpop (erf)  }
0x2e: {  	v18 =	vadd.s32 $0x1, v12;
	v17 =	vadd.f32 v17, v6;
	v6 =	vsel vm1, v1, v7;
	v1 =	vmovc v10  }
0x2f: {  	v7 =	vmax.f32 v5, v14;
	v10 =	vmul.f32 $1.442695020e+00, v14;
	v6 =	vsel vm0, v13, v6  }
0x30: {  	vm1 =	vgt.f32 v14, v11;
	v13 =	vmul.f32 $1.442695020e+00, v0;
	v6 =	vsel vm3, v4, v6;
	v19 =	vpop (erf)  }
0x31: {  	vm3 =	vgt.f32 v14, v5;
	v5 =	vmin.f32 v5, v14;
	v4 =	vmovc v3;
	(erf) = vpow2.f32 v10  }
0x32: {  	v5 =	vmax.f32 v11, v5;
	v12 =	vsel vm2, v8, v6;
	v10 =	vmul.f32 $1.442695020e+00, v16  }
0x33: {  	vm4 =	vgt.f32 v16, v5;
	v6 =	vmin.f32 v7, v16;
	v20 =	vmax.f32 v7, v16  }
0x34: {  	v8 =	vmax.f32 v5, v6;
	vm0 =	vgt.f32 v15, v20;
	(erf) = vpow2.f32 v10  }
.Ltmp0:
0x35: {  	v11 =	vmin.f32 v20, v15;
	v6 =	vmax.f32 v20, v15;
	v10 =	vmul.f32 $1.442695020e+00, v15;
	v14 =	vpop (erf);
	(pc) =	sbr.rel @p0 .LBB2_3-.Ltmp0, $4  }
0x36: {  	v20 =	vsel vm1, v18, v12;
	v12 =	vmin.f32 v6, v0;
	v5 =	vmax.f32 v6, v0  }
0x37: {  	v20 =	vsel vm3, v9, v20;
	v14 =	vadd.f32 v14, v17;
	(erf) = vpow2.f32 v13  }
0x38: {  	vm2 =	vgt.f32 v16, v7;
	v7 =	vsel vm4, v2, v20;
	v13 =	vsel vm3, v18, v9  }
0x39: {  	s4 =	sadd.s32 $0x200, s4;
	vm1 =	vgt.f32 v15, v8;
	v7 =	vsel vm2, v13, v7;
	v9 =	vadd.f32 v19, v14  }
0x3a: {  	(erf) = vpow2.f32 v10;
	_ =	sdelay $0x4  }
0x3b: {  	v3 =	vpop (erf)  }
0x3c: {  	v3 =	vadd.f32 v3, v9  }
0x3d: {  	v54 =	vpop (erf)  }
0x3e: {  	v3 =	vadd.f32 v54, v3;
	v55 =	vpop (erf)  }
0x3f: {  	v10 =	vpop (erf)  }
0x40: {  	v3 =	vadd.f32 v10, v3;
	_ =	sdelay $0x1  }
0x41: {  	v8 =	vmax.f32 v8, v11;
	v3 =	vadd.f32 v55, v3  }
0x42: {  	v5 =	vmul.f32 $1.442695020e+00, v5;
	v56 =	vmax.f32 v8, v12  }
0x43: {  	v57 =	vmul.f32 $1.442695020e+00, v56;
	(erf) = vrcp.f32 v3  }
0x44: {  	(erf) = vpow2.f32 v5  }
0x45: {  	(erf) = vpow2.f32 v57;
	_ =	sdelay $0x5  }
0x46: {  	v2 =	vsel vm2, v2, v13;
	vm14 =	vgt.f32 v0, v6;
	v60 =	vsel vm1, v1, v7;
	s0 =	sadd.s32 $0x1, s0  }
0x47: {  	v61 =	vsel vm0, v1, v2;
	vm15 =	vgt.f32 v0, v8;
	v62 =	vsel vm0, v2, v60;
	p0 =	sne.s32 s0, $0x8;
	v58 =	vpop (erf)  }
.Ltmp1:
0x48: {  	v63 =	vsel vm14, v4, v61;
	v0 =	vsel vm15, v4, v62;
	v5 =	vpop (erf);
	(pc) =	sbr.rel @p0 .LBB2_2-.Ltmp1, $4  }
0x49: {  	v0 =	vsel vm14, v61, v0;
	[tilespmem:s1+$0x4200] =	vst v63;
	v5 =	vmul.f32 v58, v5;
	v59 =	vpop (erf)  }
0x4a: {  	[tilespmem:s1+$0x4280] =	vst v0;
	v3 =	vmul.f32 v58, v59  }
0x4b: {  	[tilespmem:s1+$0x4000] =	vst v5  }
0x4c: {  	s31 =	sadd.s32 $0x10, s31;
	[tilespmem:s1+$0x4080] =	vst v3  }
0x4d: {  	s31 =	simm.s32 $0x0  }
0x4e: {  	[hbm4b:s5+s31] =	stream.linear.scatter [tilespmem:s20], [sflag:$0x3], $0x100, $0x38;
	[tilespmem:$0x4400] =	vst v63  }
0x4f: {  	_ = 	snop  }
0x50: {  	[hbm4b:s6+s31] =	stream.linear.scatter [tilespmem:s21], [sflag:$0x5], $0x100, $0x38;
	[tilespmem:$0x4400] =	vst v63  }
0x51: {  	_ = 	snop  }
0x52: {  	[tilespmem:s31], [sflag:$0x1] =	stream.strided.gather [hbm4b:s7+s16], $0x2000, s17, s16, $0x38;
	[tilespmem:$0x4400] =	vst v63  }
0x53: {  	_ =	swait.ge [sflag:s22], $0x2000  }
0x54: {  	[sflag:s22] =	ssyncset.done $0x0  }
0x55: {  	s0 =	simm.s32 $0x2100;
	[sflag:s22] =	ssyncadd.s32 $0xFFFFE000  }
.LBB2_6:
0x56: {  	v4 =	vld [tilespmem:s0+$0xFFFFFF00];
	_ =	sdelay $0x2  }
0x57: {  	v7 =	vld [tilespmem:s0+$0xFFFFFF80];
	v6 =	vimm.s32 $0xFFFFFFFF  }
0x58: {  	v0 =	vld [tilespmem:s0+$0x80];
	v5 =	vimm.f32 $-1.000000020e+30;
	v2 =	vadd.s32 $0x2, v6;
	v1 =	vadd.s32 $0x3, v6  }
0x59: {  	v3 =	vadd.s32 $0x4, v6;
	v10 =	vadd.s32 $0x1, v6;
	v6 =	vmul.f32 $1.442695020e+00, v4  }
0x5a: {  	v16 =	vmax.f32 v5, v4  }
0x5b: {  	v15 =	vld [tilespmem:s0+$0x0];
	vm1 =	vgt.f32 v4, v5;
	v4 =	vmin.f32 v5, v4;
	(erf) = vpow2.f32 v6  }
0x5c: {  	v4 =	vmax.f32 v5, v4;
	v5 =	vmul.f32 $1.442695020e+00, v7  }
0x5d: {  	v14 =	vimm.s32 $0x0;
	v9 =	vimm.f32 $0.0e+00;
	v17 =	vmul.f32 $1.442695020e+00, v0  }
0x5e: {  	v13 =	vsel vm1, v10, v14;
	v6 =	vmin.f32 v16, v7;
	(erf) = vpow2.f32 v5  }
0x5f: {  	vm3 =	vgt.f32 v7, v4;
	v8 =	vmax.f32 v4, v6;
	v4 =	vsel vm1, v14, v13  }
0x60: {  	v12 =	vmax.f32 v16, v7;
	v10 =	vmul.f32 $1.442695020e+00, v15;
	v4 =	vsel vm3, v2, v4  }
0x61: {  	vm2 =	vgt.f32 v7, v16;
	v6 =	vmax.f32 v12, v15;
	(erf) = vpow2.f32 v17  }
0x62: {  	vm0 =	vgt.f32 v15, v12;
	v11 =	vmin.f32 v12, v15;
	v12 =	vmin.f32 v6, v0  }
0x63: {  	s1 =	sshll.u32 s31, $0x4;
	s3 =	simm.s32 $0x0;
	s4 =	sadd.s32 $0x200, s0;
	v5 =	vmax.f32 v6, v0;
	vm1 =	vgt.f32 v15, v8;
	v7 =	vsel vm2, v13, v4;
	v4 =	vmovc v3  }
.LBB2_7:
0x64: {  	v14 =	vld [tilespmem:s4+$0xFFFFFF00];
	s3 =	sadd.s32 $0x4, s3;
	v13 =	vsel vm2, v2, v13;
	v2 =	vmax.f32 v8, v11;
	vm2 =	vgt.f32 v0, v6;
	v6 =	vpop (erf)  }
0x65: {  	p0 =	slt.u32 s3, $0x3C;
	v8 =	vsel vm0, v1, v13;
	vm3 =	vgt.f32 v0, v2;
	v0 =	vld [tilespmem:s4+$0x80];
	v11 =	vmax.f32 v2, v12;
	v12 =	vmovc v3  }
0x66: {  	v6 =	vadd.f32 v6, v9;
	v15 =	vld [tilespmem:s4+$0x0];
	v9 =	vsel vm2, v4, v8;
	(erf) = vpow2.f32 v10  }
0x67: {  	v3 =	vadd.s32 $0x4, v3;
	v2 =	vadd.s32 $0x2, v12;
	v10 =	vadd.s32 $0x3, v12;
	v16 =	vld [tilespmem:s4+$0xFFFFFF80];
	v17 =	vpop (erf)  }
0x68: {  	v18 =	vadd.s32 $0x1, v12;
	v17 =	vadd.f32 v17, v6;
	v6 =	vsel vm1, v1, v7;
	v1 =	vmovc v10  }
0x69: {  	v7 =	vmax.f32 v5, v14;
	v10 =	vmul.f32 $1.442695020e+00, v14;
	v6 =	vsel vm0, v13, v6  }
0x6a: {  	vm1 =	vgt.f32 v14, v11;
	v13 =	vmul.f32 $1.442695020e+00, v0;
	v6 =	vsel vm3, v4, v6;
	v19 =	vpop (erf)  }
0x6b: {  	vm3 =	vgt.f32 v14, v5;
	v5 =	vmin.f32 v5, v14;
	v4 =	vmovc v3;
	(erf) = vpow2.f32 v10  }
0x6c: {  	v5 =	vmax.f32 v11, v5;
	v12 =	vsel vm2, v8, v6;
	v10 =	vmul.f32 $1.442695020e+00, v16  }
0x6d: {  	vm4 =	vgt.f32 v16, v5;
	v6 =	vmin.f32 v7, v16;
	v20 =	vmax.f32 v7, v16  }
0x6e: {  	v8 =	vmax.f32 v5, v6;
	vm0 =	vgt.f32 v15, v20;
	(erf) = vpow2.f32 v10  }
.Ltmp2:
0x6f: {  	v11 =	vmin.f32 v20, v15;
	v6 =	vmax.f32 v20, v15;
	v10 =	vmul.f32 $1.442695020e+00, v15;
	v14 =	vpop (erf);
	(pc) =	sbr.rel @p0 .LBB2_7-.Ltmp2, $4  }
0x70: {  	v20 =	vsel vm1, v18, v12;
	v12 =	vmin.f32 v6, v0;
	v5 =	vmax.f32 v6, v0  }
0x71: {  	v20 =	vsel vm3, v9, v20;
	v14 =	vadd.f32 v14, v17;
	(erf) = vpow2.f32 v13  }
0x72: {  	vm2 =	vgt.f32 v16, v7;
	v7 =	vsel vm4, v2, v20;
	v13 =	vsel vm3, v18, v9  }
0x73: {  	s4 =	sadd.s32 $0x200, s4;
	vm1 =	vgt.f32 v15, v8;
	v7 =	vsel vm2, v13, v7;
	v9 =	vadd.f32 v19, v14  }
0x74: {  	(erf) = vpow2.f32 v10;
	_ =	sdelay $0x4  }
0x75: {  	v3 =	vpop (erf)  }
0x76: {  	v3 =	vadd.f32 v3, v9  }
0x77: {  	v54 =	vpop (erf)  }
0x78: {  	v3 =	vadd.f32 v54, v3;
	v55 =	vpop (erf)  }
0x79: {  	v10 =	vpop (erf)  }
0x7a: {  	v3 =	vadd.f32 v10, v3;
	_ =	sdelay $0x1  }
0x7b: {  	v8 =	vmax.f32 v8, v11;
	v3 =	vadd.f32 v55, v3  }
0x7c: {  	v5 =	vmul.f32 $1.442695020e+00, v5;
	v56 =	vmax.f32 v8, v12  }
0x7d: {  	v57 =	vmul.f32 $1.442695020e+00, v56;
	(erf) = vrcp.f32 v3  }
0x7e: {  	(erf) = vpow2.f32 v5  }
0x7f: {  	(erf) = vpow2.f32 v57;
	_ =	sdelay $0x5  }
0x80: {  	v2 =	vsel vm2, v2, v13;
	vm14 =	vgt.f32 v0, v6;
	v60 =	vsel vm1, v1, v7;
	s31 =	sadd.s32 $0x1, s31  }
0x81: {  	v61 =	vsel vm0, v1, v2;
	vm15 =	vgt.f32 v0, v8;
	v62 =	vsel vm0, v2, v60;
	p0 =	sne.s32 s31, $0x8;
	v58 =	vpop (erf)  }
.Ltmp3:
0x82: {  	v63 =	vsel vm14, v4, v61;
	v0 =	vsel vm15, v4, v62;
	v5 =	vpop (erf);
	(pc) =	sbr.rel @p0 .LBB2_6-.Ltmp3, $4  }
0x83: {  	v0 =	vsel vm14, v61, v0;
	[tilespmem:s1+$0x4300] =	vst v63;
	v5 =	vmul.f32 v58, v5;
	v59 =	vpop (erf)  }
0x84: {  	[tilespmem:s1+$0x4380] =	vst v0;
	v3 =	vmul.f32 v58, v59  }
0x85: {  	[tilespmem:s1+$0x4100] =	vst v5  }
0x86: {  	s0 =	sadd.s32 $0x10, s0;
	[tilespmem:s1+$0x4180] =	vst v3  }
0x87: {  	s31 =	simm.s32 $0x0  }
0x88: {  	[hbm4b:s8+s31] =	stream.linear.scatter [tilespmem:s23], [sflag:$0x4], $0x100, $0x38;
	[tilespmem:$0x4400] =	vst v63  }
0x89: {  	_ = 	snop  }
0x8a: {  	[hbm4b:s9+s31] =	stream.linear.scatter [tilespmem:s24], [sflag:$0x6], $0x100, $0x38;
	[tilespmem:$0x4400] =	vst v63  }
0x8b: {  	_ = 	snop  }
0x8c: {  	[tilespmem:s18], [sflag:$0x2] =	stream.strided.gather [hbm4b:s10+s16], $0x2000, s17, s16, $0x38;
	[tilespmem:$0x4400] =	vst v63  }
0x8d: {  	_ =	swait.ge [sflag:s19], $0x2000  }
0x8e: {  	[sflag:s19] =	ssyncset.done $0x0  }
0x8f: {  	[sflag:s19] =	ssyncadd.s32 $0xFFFFE000  }
0x90: {  	_ =	swait.ge [sflag:s25], $0x100  }
0x91: {  	[sflag:s25] =	ssyncset.done $0x0  }
0x92: {  	[sflag:s25] =	ssyncadd.s32 $0xFFFFFF00  }
0x93: {  	_ =	swait.ge [sflag:s26], $0x100  }
0x94: {  	[sflag:s26] =	ssyncset.done $0x0  }
0x95: {  	s0 =	simm.s32 $0x100;
	[sflag:s26] =	ssyncadd.s32 $0xFFFFFF00  }
.LBB2_10:
0x96: {  	v4 =	vld [tilespmem:s0+$0xFFFFFF00];
	_ =	sdelay $0x2  }
0x97: {  	v7 =	vld [tilespmem:s0+$0xFFFFFF80];
	v6 =	vimm.s32 $0xFFFFFFFF  }
0x98: {  	v0 =	vld [tilespmem:s0+$0x80];
	v5 =	vimm.f32 $-1.000000020e+30;
	v2 =	vadd.s32 $0x2, v6;
	v1 =	vadd.s32 $0x3, v6  }
0x99: {  	v3 =	vadd.s32 $0x4, v6;
	v10 =	vadd.s32 $0x1, v6;
	v6 =	vmul.f32 $1.442695020e+00, v4  }
0x9a: {  	v16 =	vmax.f32 v5, v4  }
0x9b: {  	v15 =	vld [tilespmem:s0+$0x0];
	vm1 =	vgt.f32 v4, v5;
	v4 =	vmin.f32 v5, v4;
	(erf) = vpow2.f32 v6  }
0x9c: {  	v4 =	vmax.f32 v5, v4;
	v5 =	vmul.f32 $1.442695020e+00, v7  }
0x9d: {  	v14 =	vimm.s32 $0x0;
	v9 =	vimm.f32 $0.0e+00;
	v17 =	vmul.f32 $1.442695020e+00, v0  }
0x9e: {  	v13 =	vsel vm1, v10, v14;
	v6 =	vmin.f32 v16, v7;
	(erf) = vpow2.f32 v5  }
0x9f: {  	vm3 =	vgt.f32 v7, v4;
	v8 =	vmax.f32 v4, v6;
	v4 =	vsel vm1, v14, v13  }
0xa0: {  	v12 =	vmax.f32 v16, v7;
	v10 =	vmul.f32 $1.442695020e+00, v15;
	v4 =	vsel vm3, v2, v4  }
0xa1: {  	vm2 =	vgt.f32 v7, v16;
	v6 =	vmax.f32 v12, v15;
	(erf) = vpow2.f32 v17  }
0xa2: {  	vm0 =	vgt.f32 v15, v12;
	v11 =	vmin.f32 v12, v15;
	v12 =	vmin.f32 v6, v0  }
0xa3: {  	s1 =	sshll.u32 s31, $0x4;
	s3 =	simm.s32 $0x0;
	s4 =	sadd.s32 $0x200, s0;
	v5 =	vmax.f32 v6, v0;
	vm1 =	vgt.f32 v15, v8;
	v7 =	vsel vm2, v13, v4;
	v4 =	vmovc v3  }
.LBB2_11:
0xa4: {  	v14 =	vld [tilespmem:s4+$0xFFFFFF00];
	s3 =	sadd.s32 $0x4, s3;
	v13 =	vsel vm2, v2, v13;
	v2 =	vmax.f32 v8, v11;
	vm2 =	vgt.f32 v0, v6;
	v6 =	vpop (erf)  }
0xa5: {  	p0 =	slt.u32 s3, $0x3C;
	v8 =	vsel vm0, v1, v13;
	vm3 =	vgt.f32 v0, v2;
	v0 =	vld [tilespmem:s4+$0x80];
	v11 =	vmax.f32 v2, v12;
	v12 =	vmovc v3  }
0xa6: {  	v6 =	vadd.f32 v6, v9;
	v15 =	vld [tilespmem:s4+$0x0];
	v9 =	vsel vm2, v4, v8;
	(erf) = vpow2.f32 v10  }
0xa7: {  	v3 =	vadd.s32 $0x4, v3;
	v2 =	vadd.s32 $0x2, v12;
	v10 =	vadd.s32 $0x3, v12;
	v16 =	vld [tilespmem:s4+$0xFFFFFF80];
	v17 =	vpop (erf)  }
0xa8: {  	v18 =	vadd.s32 $0x1, v12;
	v17 =	vadd.f32 v17, v6;
	v6 =	vsel vm1, v1, v7;
	v1 =	vmovc v10  }
0xa9: {  	v7 =	vmax.f32 v5, v14;
	v10 =	vmul.f32 $1.442695020e+00, v14;
	v6 =	vsel vm0, v13, v6  }
0xaa: {  	vm1 =	vgt.f32 v14, v11;
	v13 =	vmul.f32 $1.442695020e+00, v0;
	v6 =	vsel vm3, v4, v6;
	v19 =	vpop (erf)  }
0xab: {  	vm3 =	vgt.f32 v14, v5;
	v5 =	vmin.f32 v5, v14;
	v4 =	vmovc v3;
	(erf) = vpow2.f32 v10  }
0xac: {  	v5 =	vmax.f32 v11, v5;
	v12 =	vsel vm2, v8, v6;
	v10 =	vmul.f32 $1.442695020e+00, v16  }
0xad: {  	vm4 =	vgt.f32 v16, v5;
	v6 =	vmin.f32 v7, v16;
	v20 =	vmax.f32 v7, v16  }
0xae: {  	v8 =	vmax.f32 v5, v6;
	vm0 =	vgt.f32 v15, v20;
	(erf) = vpow2.f32 v10  }
.Ltmp4:
0xaf: {  	v11 =	vmin.f32 v20, v15;
	v6 =	vmax.f32 v20, v15;
	v10 =	vmul.f32 $1.442695020e+00, v15;
	v14 =	vpop (erf);
	(pc) =	sbr.rel @p0 .LBB2_11-.Ltmp4, $4  }
0xb0: {  	v20 =	vsel vm1, v18, v12;
	v12 =	vmin.f32 v6, v0;
	v5 =	vmax.f32 v6, v0  }
0xb1: {  	v20 =	vsel vm3, v9, v20;
	v14 =	vadd.f32 v14, v17;
	(erf) = vpow2.f32 v13  }
0xb2: {  	vm2 =	vgt.f32 v16, v7;
	v7 =	vsel vm4, v2, v20;
	v13 =	vsel vm3, v18, v9  }
0xb3: {  	s4 =	sadd.s32 $0x200, s4;
	vm1 =	vgt.f32 v15, v8;
	v7 =	vsel vm2, v13, v7;
	v9 =	vadd.f32 v19, v14  }
0xb4: {  	(erf) = vpow2.f32 v10;
	_ =	sdelay $0x4  }
0xb5: {  	v3 =	vpop (erf)  }
0xb6: {  	v3 =	vadd.f32 v3, v9  }
0xb7: {  	v54 =	vpop (erf)  }
0xb8: {  	v3 =	vadd.f32 v54, v3;
	v55 =	vpop (erf)  }
0xb9: {  	v10 =	vpop (erf)  }
0xba: {  	v3 =	vadd.f32 v10, v3;
	_ =	sdelay $0x1  }
0xbb: {  	v8 =	vmax.f32 v8, v11;
	v3 =	vadd.f32 v55, v3  }
0xbc: {  	v5 =	vmul.f32 $1.442695020e+00, v5;
	v56 =	vmax.f32 v8, v12  }
0xbd: {  	v57 =	vmul.f32 $1.442695020e+00, v56;
	(erf) = vrcp.f32 v3  }
0xbe: {  	(erf) = vpow2.f32 v5  }
0xbf: {  	(erf) = vpow2.f32 v57;
	_ =	sdelay $0x5  }
0xc0: {  	v2 =	vsel vm2, v2, v13;
	vm14 =	vgt.f32 v0, v6;
	v60 =	vsel vm1, v1, v7;
	s31 =	sadd.s32 $0x1, s31  }
0xc1: {  	v61 =	vsel vm0, v1, v2;
	vm15 =	vgt.f32 v0, v8;
	v62 =	vsel vm0, v2, v60;
	p0 =	sne.s32 s31, $0x8;
	v58 =	vpop (erf)  }
.Ltmp5:
0xc2: {  	v63 =	vsel vm14, v4, v61;
	v0 =	vsel vm15, v4, v62;
	v5 =	vpop (erf);
	(pc) =	sbr.rel @p0 .LBB2_10-.Ltmp5, $4  }
0xc3: {  	v0 =	vsel vm14, v61, v0;
	[tilespmem:s1+$0x4200] =	vst v63;
	v5 =	vmul.f32 v58, v5;
	v59 =	vpop (erf)  }
0xc4: {  	[tilespmem:s1+$0x4280] =	vst v0;
	v3 =	vmul.f32 v58, v59  }
0xc5: {  	[tilespmem:s1+$0x4000] =	vst v5  }
0xc6: {  	s0 =	sadd.s32 $0x10, s0;
	[tilespmem:s1+$0x4080] =	vst v3  }
0xc7: {  	s31 =	simm.s32 $0x0  }
0xc8: {  	[hbm4b:s11+s31] =	stream.linear.scatter [tilespmem:s20], [sflag:$0x3], $0x100, $0x38;
	[tilespmem:$0x4400] =	vst v63  }
0xc9: {  	_ = 	snop  }
0xca: {  	[hbm4b:s12+s31] =	stream.linear.scatter [tilespmem:s21], [sflag:$0x5], $0x100, $0x38;
	[tilespmem:$0x4400] =	vst v63  }
0xcb: {  	_ =	swait.ge [sflag:s22], $0x2000  }
0xcc: {  	[sflag:s22] =	ssyncset.done $0x0  }
0xcd: {  	[sflag:s22] =	ssyncadd.s32 $0xFFFFE000  }
0xce: {  	_ =	swait.ge [sflag:s28], $0x100  }
0xcf: {  	[sflag:s28] =	ssyncset.done $0x0  }
0xd0: {  	[sflag:s28] =	ssyncadd.s32 $0xFFFFFF00  }
0xd1: {  	_ =	swait.ge [sflag:s29], $0x100  }
0xd2: {  	[sflag:s29] =	ssyncset.done $0x0  }
0xd3: {  	s0 =	simm.s32 $0x2100;
	[sflag:s29] =	ssyncadd.s32 $0xFFFFFF00  }
.LBB2_14:
0xd4: {  	v4 =	vld [tilespmem:s0+$0xFFFFFF00];
	_ =	sdelay $0x2  }
0xd5: {  	v7 =	vld [tilespmem:s0+$0xFFFFFF80];
	v6 =	vimm.s32 $0xFFFFFFFF  }
0xd6: {  	v0 =	vld [tilespmem:s0+$0x80];
	v5 =	vimm.f32 $-1.000000020e+30;
	v2 =	vadd.s32 $0x2, v6;
	v1 =	vadd.s32 $0x3, v6  }
0xd7: {  	v3 =	vadd.s32 $0x4, v6;
	v10 =	vadd.s32 $0x1, v6;
	v6 =	vmul.f32 $1.442695020e+00, v4  }
0xd8: {  	v16 =	vmax.f32 v5, v4  }
0xd9: {  	v15 =	vld [tilespmem:s0+$0x0];
	vm1 =	vgt.f32 v4, v5;
	v4 =	vmin.f32 v5, v4;
	(erf) = vpow2.f32 v6  }
0xda: {  	v4 =	vmax.f32 v5, v4;
	v5 =	vmul.f32 $1.442695020e+00, v7  }
0xdb: {  	v14 =	vimm.s32 $0x0;
	v9 =	vimm.f32 $0.0e+00;
	v17 =	vmul.f32 $1.442695020e+00, v0  }
0xdc: {  	v13 =	vsel vm1, v10, v14;
	v6 =	vmin.f32 v16, v7;
	(erf) = vpow2.f32 v5  }
0xdd: {  	vm3 =	vgt.f32 v7, v4;
	v8 =	vmax.f32 v4, v6;
	v4 =	vsel vm1, v14, v13  }
0xde: {  	v12 =	vmax.f32 v16, v7;
	v10 =	vmul.f32 $1.442695020e+00, v15;
	v4 =	vsel vm3, v2, v4  }
0xdf: {  	vm2 =	vgt.f32 v7, v16;
	v6 =	vmax.f32 v12, v15;
	(erf) = vpow2.f32 v17  }
0xe0: {  	vm0 =	vgt.f32 v15, v12;
	v11 =	vmin.f32 v12, v15;
	v12 =	vmin.f32 v6, v0  }
0xe1: {  	s1 =	sshll.u32 s31, $0x4;
	s3 =	simm.s32 $0x0;
	s4 =	sadd.s32 $0x200, s0;
	v5 =	vmax.f32 v6, v0;
	vm1 =	vgt.f32 v15, v8;
	v7 =	vsel vm2, v13, v4;
	v4 =	vmovc v3  }
.LBB2_15:
0xe2: {  	v14 =	vld [tilespmem:s4+$0xFFFFFF00];
	s3 =	sadd.s32 $0x4, s3;
	v13 =	vsel vm2, v2, v13;
	v2 =	vmax.f32 v8, v11;
	vm2 =	vgt.f32 v0, v6;
	v6 =	vpop (erf)  }
0xe3: {  	p0 =	slt.u32 s3, $0x3C;
	v8 =	vsel vm0, v1, v13;
	vm3 =	vgt.f32 v0, v2;
	v0 =	vld [tilespmem:s4+$0x80];
	v11 =	vmax.f32 v2, v12;
	v12 =	vmovc v3  }
0xe4: {  	v6 =	vadd.f32 v6, v9;
	v15 =	vld [tilespmem:s4+$0x0];
	v9 =	vsel vm2, v4, v8;
	(erf) = vpow2.f32 v10  }
0xe5: {  	v3 =	vadd.s32 $0x4, v3;
	v2 =	vadd.s32 $0x2, v12;
	v10 =	vadd.s32 $0x3, v12;
	v16 =	vld [tilespmem:s4+$0xFFFFFF80];
	v17 =	vpop (erf)  }
0xe6: {  	v18 =	vadd.s32 $0x1, v12;
	v17 =	vadd.f32 v17, v6;
	v6 =	vsel vm1, v1, v7;
	v1 =	vmovc v10  }
0xe7: {  	v7 =	vmax.f32 v5, v14;
	v10 =	vmul.f32 $1.442695020e+00, v14;
	v6 =	vsel vm0, v13, v6  }
0xe8: {  	vm1 =	vgt.f32 v14, v11;
	v13 =	vmul.f32 $1.442695020e+00, v0;
	v6 =	vsel vm3, v4, v6;
	v19 =	vpop (erf)  }
0xe9: {  	vm3 =	vgt.f32 v14, v5;
	v5 =	vmin.f32 v5, v14;
	v4 =	vmovc v3;
	(erf) = vpow2.f32 v10  }
0xea: {  	v5 =	vmax.f32 v11, v5;
	v12 =	vsel vm2, v8, v6;
	v10 =	vmul.f32 $1.442695020e+00, v16  }
0xeb: {  	vm4 =	vgt.f32 v16, v5;
	v6 =	vmin.f32 v7, v16;
	v20 =	vmax.f32 v7, v16  }
0xec: {  	v8 =	vmax.f32 v5, v6;
	vm0 =	vgt.f32 v15, v20;
	(erf) = vpow2.f32 v10  }
.Ltmp6:
0xed: {  	v11 =	vmin.f32 v20, v15;
	v6 =	vmax.f32 v20, v15;
	v10 =	vmul.f32 $1.442695020e+00, v15;
	v14 =	vpop (erf);
	(pc) =	sbr.rel @p0 .LBB2_15-.Ltmp6, $4  }
0xee: {  	v20 =	vsel vm1, v18, v12;
	v12 =	vmin.f32 v6, v0;
	v5 =	vmax.f32 v6, v0  }
0xef: {  	v20 =	vsel vm3, v9, v20;
	v14 =	vadd.f32 v14, v17;
	(erf) = vpow2.f32 v13  }
0xf0: {  	vm2 =	vgt.f32 v16, v7;
	v7 =	vsel vm4, v2, v20;
	v13 =	vsel vm3, v18, v9  }
0xf1: {  	s4 =	sadd.s32 $0x200, s4;
	vm1 =	vgt.f32 v15, v8;
	v7 =	vsel vm2, v13, v7;
	v9 =	vadd.f32 v19, v14  }
0xf2: {  	(erf) = vpow2.f32 v10;
	_ =	sdelay $0x4  }
0xf3: {  	v3 =	vpop (erf)  }
0xf4: {  	v3 =	vadd.f32 v3, v9  }
0xf5: {  	v54 =	vpop (erf)  }
0xf6: {  	v3 =	vadd.f32 v54, v3;
	v55 =	vpop (erf)  }
0xf7: {  	v10 =	vpop (erf)  }
0xf8: {  	v3 =	vadd.f32 v10, v3;
	_ =	sdelay $0x1  }
0xf9: {  	v8 =	vmax.f32 v8, v11;
	v3 =	vadd.f32 v55, v3  }
0xfa: {  	v5 =	vmul.f32 $1.442695020e+00, v5;
	v56 =	vmax.f32 v8, v12  }
0xfb: {  	v57 =	vmul.f32 $1.442695020e+00, v56;
	(erf) = vrcp.f32 v3  }
0xfc: {  	(erf) = vpow2.f32 v5  }
0xfd: {  	(erf) = vpow2.f32 v57;
	_ =	sdelay $0x5  }
0xfe: {  	v2 =	vsel vm2, v2, v13;
	vm14 =	vgt.f32 v0, v6;
	v60 =	vsel vm1, v1, v7;
	s31 =	sadd.s32 $0x1, s31  }
0xff: {  	v61 =	vsel vm0, v1, v2;
	vm15 =	vgt.f32 v0, v8;
	v62 =	vsel vm0, v2, v60;
	p0 =	sne.s32 s31, $0x8;
	v58 =	vpop (erf)  }
.Ltmp7:
0x100: {  	v63 =	vsel vm14, v4, v61;
	v0 =	vsel vm15, v4, v62;
	v5 =	vpop (erf);
	(pc) =	sbr.rel @p0 .LBB2_14-.Ltmp7, $4  }
0x101: {  	v0 =	vsel vm14, v61, v0;
	[tilespmem:s1+$0x4300] =	vst v63;
	v5 =	vmul.f32 v58, v5;
	v59 =	vpop (erf)  }
0x102: {  	[tilespmem:s1+$0x4380] =	vst v0;
	v3 =	vmul.f32 v58, v59  }
0x103: {  	[tilespmem:s1+$0x4100] =	vst v5  }
0x104: {  	s0 =	sadd.s32 $0x10, s0;
	[tilespmem:s1+$0x4180] =	vst v3  }
0x105: {  	[hbm4b:s13+s2] =	stream.linear.scatter [tilespmem:s23], [sflag:$0x4], $0x100, $0x38;
	[tilespmem:$0x4400] =	vst v63  }
0x106: {  	_ = 	snop  }
0x107: {  	[hbm4b:s14+s2] =	stream.linear.scatter [tilespmem:s24], [sflag:$0x6], $0x100, $0x38;
	[tilespmem:$0x4400] =	vst v63  }
0x108: {  	_ =	swait.ge [sflag:s25], $0x100  }
0x109: {  	[sflag:s25] =	ssyncset.done $0x0  }
0x10a: {  	[sflag:s25] =	ssyncadd.s32 $0xFFFFFF00  }
0x10b: {  	_ =	swait.ge [sflag:s26], $0x100  }
0x10c: {  	[sflag:s26] =	ssyncset.done $0x0  }
0x10d: {  	s30 =	sadd.s32 $0x1, s30;
	[sflag:s26] =	ssyncadd.s32 $0xFFFFFF00  }
0x10e: {  	p0 =	sne.s32 s30, s15;
	_ =	swait.ge [sflag:s28], $0x100  }
.Ltmp8:
0x10f: {  	[sflag:s28] =	ssyncset.done $0x0;
	(pc) =	sbr.rel @p0 .LBB2_1-.Ltmp8, $4  }
0x110: {  	[sflag:s28] =	ssyncadd.s32 $0xFFFFFF00  }
0x111: {  	_ =	swait.ge [sflag:s29], $0x100  }
0x112: {  	[sflag:s29] =	ssyncset.done $0x0  }
0x113: {  	[sflag:s29] =	ssyncadd.s32 $0xFFFFFF00  }
0x114: {  	_ =	sfence.sel $0x180000  }
0x115: {  	[bflag:$0x0] =	sbarrier.arrive $0xFFFF  }
0x116: {  	_ =	strace $0x90000047  }
0x117: {  	s0 =	stileid.u32;
	[bflag:$0x2] =	sbarrier.arrive $0xFFFF  }
0x118: {  	p0 =	sne.s32 s0, $0x0;
	s0 =	rddreg [dreg:$0x3]  }
0x119: {  	s0 =	sadd.s32 @!p0 $0x100000, s0  }
0x11a: {  	[sflag:s0] =	ssyncadd.tile.s32 @!p0 $0x1;
	_ =	shalt  }
.Lfunc_end2:
_tile_overlayer_lowered:
.L_overlay_start_2:
0x11b: {  	(tag) =	ssettag $0x2  }
0x11c: {  	s0 =	rddreg [dreg:$0x0];
	s2 =	stileid.u32  }
0x11d: {  	s1 =	rddreg [dreg:$0x1];
	p0 =	sne.s32 s2, $0x0  }
0x11e: {  	s3 =	rddreg [dreg:$0x2];
	[bflag:$0x3] =	sbarrier.arrive $0xFFFF;
	s2 =	simm.s32 @!p0 $0x1C07  }
0x11f: {  	[timem:s3], [sflag:s2] =	dma.local @!p0 [hbm:s0], s1  }
0x120: {  	s0 =	simm.s32 @!p0 $0x7  }
0x121: {  	_ =	swait.ge @!p0 [sflag:s0], s1  }
0x122: {  	s1 =	ssub.s32 @!p0 $0x0, s1;
	[sflag:s0] =	ssyncset.done @!p0 $0x0  }
0x123: {  	[sflag:s0] =	ssyncadd.s32 @!p0 s1  }
0x124: {  	[bflag:$0x3] =	sbarrier.arrive $0xFFFF  }
0x125: {  	_ =	shalt  }

</sc_bundles>
